<compile_context>
chip_gen: v7x
topology: tpu7x:2x2x1
jax: 0.10.2.dev20260603
libtpu: 0.0.44.dev20260713+nightly
codegen_flags: <defaults>
</compile_context>

<pallas_src>
import functools

import jax
import jax.numpy as jnp
from jax import lax
from jax.experimental import pallas as pl
from jax.experimental.pallas import tpu as pltpu
from jax.experimental.pallas import tpu_sc as plsc

_N = 65536
_ALPHA = 50.0
_RGB_W = 1.0
_MASK_W = 2.0
_EIK_W = 0.1
_CSDF_W = 1.0
_CREG_W = 1.0

_NC = 2
_NS = 16
_NW = _NC * _NS
_L = 16
_R = _N // _NW
_CH = _R // _L

_AX, _AY, _AZ, _BX, _BY, _BZ, _GX, _GY, _GZ, _NX, _NY, _NZ, \
    _PM, _GM, _SDF, _SH, _SD = range(17)


def _rsqrt(s):
    i = plsc.bitcast(s, jnp.int32)
    i = jnp.int32(0x5F3759DF) - (i >> 1)
    y = plsc.bitcast(i, jnp.float32)
    for _ in range(3):
        y = y * (1.5 - 0.5 * s * y * y)
    return y


def _softplus_neg(a):
    u = jnp.exp(-a)
    s = u / (2.0 + u)
    s2 = s * s
    return 2.0 * s * (1.0 + s2 * (1.0 / 3.0 + s2 * (
        1.0 / 5.0 + s2 * (1.0 / 7.0 + s2 * (1.0 / 9.0)))))


def _sc_body(rgb_a, rgb_b, grad, nr, mk, sdf, sh, sd, out,
             cv, sv, part_v, sem_a):
    wid = lax.axis_index("s") * _NC + lax.axis_index("c")
    base = wid * _R

    copies = [
        pltpu.async_copy(arr.at[pl.ds(c, 1), pl.ds(base, _R)],
                         cv.at[pl.ds(a3 * 3 + c, 1), pl.ds(0, _R)],
                         sem_a)
        for a3, arr in enumerate((rgb_a, rgb_b, grad, nr))
        for c in range(3)
    ] + [
        pltpu.async_copy(arr.at[pl.ds(base, _R)],
                         sv.at[pl.ds(j * _R, _R)], sem_a)
        for j, arr in ((0, mk), (1, sdf), (2, sh), (3, sd))
    ]
    for c in copies:
        c.wait()

    iota = lax.iota(jnp.int32, _L)
    rows = [jnp.full((_L,), j, jnp.int32) for j in range(12)]

    def mk_ld(cols):
        def ld(j, i):
            return plsc.load_gather(cv, [rows[j], cols])
        return ld

    zero = jnp.zeros((_L,), jnp.float32)

    def chunk(i, accs):
        a0, a1, a2, a3, a4, a5 = accs
        cols = iota + i * _L
        ld = mk_ld(cols)
        mk2 = sv[pl.ds(0 * _R + i * _L, _L)]
        gmv = mk2 - jnp.where(mk2 >= 2.0, 2.0, 0.0)
        m = jnp.where(mk2 >= 3.0, 1.0, 0.0)

        d = (jnp.abs(ld(0, i) - ld(3, i)) +
             jnp.abs(ld(1, i) - ld(4, i)) +
             jnp.abs(ld(2, i) - ld(5, i)))
        a0 = a0 + d * m

        z = -_ALPHA * sv[pl.ds(1 * _R + i * _L, _L)]
        bce = jnp.maximum(z, 0.0) - z * gmv + _softplus_neg(jnp.abs(z))
        a1 = a1 + bce * (1.0 - m)

        gx = ld(6, i)
        gy = ld(7, i)
        gz = ld(8, i)
        s = gx * gx + gy * gy + gz * gz
        ns = s * _rsqrt(jnp.maximum(s, 1e-30))
        t = ns - 1.0
        a2 = a2 + t * t

        shv = sv[pl.ds(2 * _R + i * _L, _L)]
        sdv = sv[pl.ds(3 * _R + i * _L, _L)]
        cm = jnp.where((shv < 0.0) & (sdv < 0.0), 1.0, 0.0)
        a3 = a3 + jnp.maximum(-shv, 0.0) * cm
        a4 = a4 + cm

        nx = ld(9, i)
        ny = ld(10, i)
        nz = ld(11, i)
        a5 = a5 + (nx * nx + ny * ny + nz * nz) * (1.0 - cm)

        return (a0, a1, a2, a3, a4, a5)

    accs = lax.fori_loop(0, _CH, chunk, (zero,) * 6)

    for k in range(6):
        part_v[pl.ds(k * _L, _L)] = accs[k]
    outs = [
        pltpu.async_copy(part_v.at[pl.ds(k * _L, _L)],
                         out.at[pl.ds((k * _NW + wid) * _L, _L)], sem_a)
        for k in range(6)
    ]
    for c in outs:
        c.wait()


_sc_partials = functools.partial(
    pl.kernel,
    mesh=plsc.VectorSubcoreMesh(core_axis_name="c", subcore_axis_name="s"),
    out_type=jax.ShapeDtypeStruct((_NW * 6 * _L,), jnp.float32),
    compiler_params=pltpu.CompilerParams(
        needs_layout_passes=False,
        skip_device_barrier=True,
    ),
    scratch_types=[
        pltpu.VMEM((16, _R), jnp.float32),
        pltpu.VMEM((4 * _R,), jnp.float32),
        pltpu.VMEM((6 * _L,), jnp.float32),
        pltpu.SemaphoreType.DMA,
    ],
)(_sc_body)


def _fin_body(x_ref, o_ref):
    p = [jnp.sum(x_ref[4 * k:4 * (k + 1), :]) for k in range(6)]
    n = float(_N)
    rgb_loss = p[0] / n
    mask_loss = (1.0 / _ALPHA) * p[1] / n
    eik_loss = p[2] / n
    contact_loss = p[3] / jnp.maximum(p[4], 1.0)
    contact_reg = p[5] / jnp.maximum((n - p[4]) * 3.0, 1.0)
    o_ref[0, 0] = (_RGB_W * rgb_loss + _MASK_W * mask_loss +
                   _EIK_W * eik_loss + _CSDF_W * contact_loss +
                   _CREG_W * contact_reg)


_finalize = pl.pallas_call(
    _fin_body,
    out_shape=jax.ShapeDtypeStruct((1, 1), jnp.float32),
    out_specs=pl.BlockSpec(memory_space=pltpu.SMEM),
)


@jax.jit
def kernel(rgb_values, rgb_gt, pred_mask, gt_mask, sdf_output, grad_theta,
           sdf_head, sdf_hand, nonrigid_deformation):
    mk = pred_mask.astype(jnp.float32) * 2.0 + gt_mask.astype(jnp.float32)
    parts = _sc_partials(rgb_values.T, rgb_gt.T, grad_theta.T,
                         nonrigid_deformation.T, mk,
                         sdf_output.reshape(-1), sdf_head, sdf_hand)
    total = _finalize(parts.reshape(_NW * 6 * _L // 128, 128))
    return total[0, 0]

# --- scband reference (transcript-rebuilt; emitter-appended) ---
"""Pipeline reference for scband-loss-36197984371125 (READ-ONLY COPY).

The authoritative reference and input builder live on the scoring server;
editing this copy changes nothing except your own understanding.
"""

import jax, jax.numpy as jnp
import numpy as np

N = 65536
ALPHA = 50.0
MASK_W = 2.0
EIK_W = 0.1
CSDF_W = 1.0
CREG_W = 1.0
RGB_W = 1.0


def setup_inputs(seed: int = 0) -> dict:
    key = jax.random.key(seed)
    ks = jax.random.split(key, 9)
    rgb_values = jax.random.normal(ks[0], (N, 3), dtype=jnp.float32)
    rgb_gt = jax.random.normal(ks[1], (N, 3), dtype=jnp.float32)
    pred_mask = jax.random.bernoulli(ks[2], 0.5, (N,))
    gt_mask = jax.random.bernoulli(ks[3], 0.5, (N,))
    sdf_output = jax.random.normal(ks[4], (N, 1), dtype=jnp.float32) * 0.1
    grad_theta = jax.random.normal(ks[5], (N, 3), dtype=jnp.float32)
    sdf_head = jax.random.normal(ks[6], (N,), dtype=jnp.float32) * 0.1
    sdf_hand = jax.random.normal(ks[7], (N,), dtype=jnp.float32) * 0.1
    nonrigid_deformation = jax.random.normal(ks[8], (N, 3), dtype=jnp.float32) * 0.01
    return {
        'rgb_values': rgb_values,
        'rgb_gt': rgb_gt,
        'pred_mask': pred_mask,
        'gt_mask': gt_mask,
        'sdf_output': sdf_output,
        'grad_theta': grad_theta,
        'sdf_head': sdf_head,
        'sdf_hand': sdf_hand,
        'nonrigid_deformation': nonrigid_deformation,
    }


def reference(rgb_values, rgb_gt, pred_mask, gt_mask, sdf_output, grad_theta, sdf_head, sdf_hand, nonrigid_deformation):
    n = rgb_values.shape[0]
    # get_rgb_loss: L1 (sum) over rows where pred_mask & gt_mask, divided by mask.shape[0]
    m_rgb = pred_mask & gt_mask
    rgb_loss = jnp.sum(jnp.abs(rgb_values - rgb_gt.reshape(-1, 3)) * m_rgb[:, None].astype(jnp.float32)) / float(n)
    # get_mask_loss: BCE-with-logits (sum) on -(alpha*sdf) over ~(pred&gt), scaled by 1/alpha and /N
    m_mask = (~m_rgb).astype(jnp.float32)
    z = -ALPHA * sdf_output[:, 0]
    y = gt_mask.astype(jnp.float32)
    bce = jnp.maximum(z, 0.0) - z * y + jnp.log1p(jnp.exp(-jnp.abs(z)))
    mask_loss = (1.0 / ALPHA) * jnp.sum(bce * m_mask) / float(n)
    # get_eikonal_loss
    eikonal_loss = jnp.mean((jnp.linalg.norm(grad_theta, ord=2, axis=1) - 1.0) ** 2)
    # get_contact_loss: relu(-sdf_head) mean over (sdf_head<0)&(sdf_hand<0)
    sh = sdf_head.reshape(-1)
    sd = sdf_hand.reshape(-1)
    cm = ((sh < 0) & (sd < 0)).astype(jnp.float32)
    contact_loss = jnp.sum(jax.nn.relu(-sh) * cm) / jnp.maximum(jnp.sum(cm), 1.0)
    # get_contact_reg: mean of nonrigid_deformation**2 over rows NOT in contact
    rm = (~((sh < 0) & (sd < 0))).astype(jnp.float32)
    contact_reg = jnp.sum((nonrigid_deformation ** 2) * rm[:, None]) / jnp.maximum(jnp.sum(rm) * nonrigid_deformation.shape[1], 1.0)
    total = RGB_W * rgb_loss + MASK_W * mask_loss + EIK_W * eikonal_loss + CSDF_W * contact_loss + CREG_W * contact_reg
    return total

if __name__ == "__main__":
    import jax
    _d = setup_inputs()
    print(jax.jit(kernel)(*tuple(_d.values())))

</pallas_src>

<mosaic_0001>
#map = affine_map<(d0, d1) -> (0, 0)>
#map1 = affine_map<(d0, d1) -> (0)>
module attributes {stable_mosaic.version = 14 : i64} {
  func.func @_sc_body(%arg0: i32, %arg1: i32, %arg2: memref<3x65536xf32, #tpu.memory_space<hbm>>, %arg3: memref<3x65536xf32, #tpu.memory_space<hbm>>, %arg4: memref<3x65536xf32, #tpu.memory_space<hbm>>, %arg5: memref<3x65536xf32, #tpu.memory_space<hbm>>, %arg6: memref<65536xf32, #tpu.memory_space<hbm>>, %arg7: memref<65536xf32, #tpu.memory_space<hbm>>, %arg8: memref<65536xf32, #tpu.memory_space<hbm>>, %arg9: memref<65536xf32, #tpu.memory_space<hbm>>, %arg10: memref<3072xf32, #tpu.memory_space<hbm>>, %arg11: memref<16x2048xf32, #tpu.memory_space<vmem>>, %arg12: memref<8192xf32, #tpu.memory_space<vmem>>, %arg13: memref<96xf32, #tpu.memory_space<vmem>>, %arg14: memref<!tpu.dma_semaphore, #tpu.memory_space<semaphore_mem>>) attributes {dimension_semantics = [#tpu.dimension_semantics<core_parallel>, #tpu.dimension_semantics<subcore_parallel>], iteration_bounds = array<i64: 2, 16>, scalar_prefetch = 0 : i64, scratch_operands = 4 : i64, tpu.core_type = #tpu.core_type<sc_vector_subcore>, window_params = [{transform_indices = #map}, {transform_indices = #map}, {transform_indices = #map}, {transform_indices = #map}, {transform_indices = #map1}, {transform_indices = #map1}, {transform_indices = #map1}, {transform_indices = #map1}, {transform_indices = #map1}]} {
    %mul3A = arith.constant 2 : i32
    %mul3A_0 = arith.muli %arg1, %mul3A : i32
    %add3A = arith.addi %mul3A_0, %arg0 : i32
    %mul3A_1 = arith.constant 2048 : i32
    %mul3A_2 = arith.muli %add3A, %mul3A_1 : i32
    %dma_start3A = arith.constant 0 : i32
    %dma_start3A_3 = arith.constant 0 : i32
    %dma_start3A_4 = tpu.memref_slice %arg11[%dma_start3A, %dma_start3A_3] : memref<16x2048xf32, #tpu.memory_space<vmem>> -> memref<1x2048xf32, #tpu.memory_space<vmem>>
    %dma_start3A_5 = arith.constant 0 : i32
    %dma_start3A_6 = tpu.memref_slice %arg2[%dma_start3A_5, %mul3A_2] : memref<3x65536xf32, #tpu.memory_space<hbm>> -> memref<1x2048xf32, #tpu.memory_space<hbm>>
    %dma_start3A_7 = arith.constant 0 : i32
    %dma_start3A_8 = arith.constant 0 : i32
    %dma_start3A_9 = tpu.memref_slice %arg11[%dma_start3A_7, %dma_start3A_8] : memref<16x2048xf32, #tpu.memory_space<vmem>> -> memref<1x2048xf32, #tpu.memory_space<vmem>>
    %dma_start3A_10 = arith.constant 0 : i32
    %dma_start3A_11 = tpu.memref_slice %arg2[%dma_start3A_10, %mul3A_2] : memref<3x65536xf32, #tpu.memory_space<hbm>> -> memref<1x2048xf32, #tpu.memory_space<hbm>>
    tpu.enqueue_dma source(%dma_start3A_11 : memref<1x2048xf32, #tpu.memory_space<hbm>>) target(%dma_start3A_9 : memref<1x2048xf32, #tpu.memory_space<vmem>>) target_semaphore(%arg14 : memref<!tpu.dma_semaphore, #tpu.memory_space<semaphore_mem>>)
    %dma_start3A_12 = arith.constant 1 : i32
    %dma_start3A_13 = arith.constant 0 : i32
    %dma_start3A_14 = tpu.memref_slice %arg11[%dma_start3A_12, %dma_start3A_13] : memref<16x2048xf32, #tpu.memory_space<vmem>> -> memref<1x2048xf32, #tpu.memory_space<vmem>>
    %dma_start3A_15 = arith.constant 1 : i32
    %dma_start3A_16 = tpu.memref_slice %arg2[%dma_start3A_15, %mul3A_2] : memref<3x65536xf32, #tpu.memory_space<hbm>> -> memref<1x2048xf32, #tpu.memory_space<hbm>>
    %dma_start3A_17 = arith.constant 1 : i32
    %dma_start3A_18 = arith.constant 0 : i32
    %dma_start3A_19 = tpu.memref_slice %arg11[%dma_start3A_17, %dma_start3A_18] : memref<16x2048xf32, #tpu.memory_space<vmem>> -> memref<1x2048xf32, #tpu.memory_space<vmem>>
    %dma_start3A_20 = arith.constant 1 : i32
    %dma_start3A_21 = tpu.memref_slice %arg2[%dma_start3A_20, %mul3A_2] : memref<3x65536xf32, #tpu.memory_space<hbm>> -> memref<1x2048xf32, #tpu.memory_space<hbm>>
    tpu.enqueue_dma source(%dma_start3A_21 : memref<1x2048xf32, #tpu.memory_space<hbm>>) target(%dma_start3A_19 : memref<1x2048xf32, #tpu.memory_space<vmem>>) target_semaphore(%arg14 : memref<!tpu.dma_semaphore, #tpu.memory_space<semaphore_mem>>)
    %dma_start3A_22 = arith.constant 2 : i32
    %dma_start3A_23 = arith.constant 0 : i32
    %dma_start3A_24 = tpu.memref_slice %arg11[%dma_start3A_22, %dma_start3A_23] : memref<16x2048xf32, #tpu.memory_space<vmem>> -> memref<1x2048xf32, #tpu.memory_space<vmem>>
    %dma_start3A_25 = arith.constant 2 : i32
    %dma_start3A_26 = tpu.memref_slice %arg2[%dma_start3A_25, %mul3A_2] : memref<3x65536xf32, #tpu.memory_space<hbm>> -> memref<1x2048xf32, #tpu.memory_space<hbm>>
    %dma_start3A_27 = arith.constant 2 : i32
    %dma_start3A_28 = arith.constant 0 : i32
    %dma_start3A_29 = tpu.memref_slice %arg11[%dma_start3A_27, %dma_start3A_28] : memref<16x2048xf32, #tpu.memory_space<vmem>> -> memref<1x2048xf32, #tpu.memory_space<vmem>>
    %dma_start3A_30 = arith.constant 2 : i32
    %dma_start3A_31 = tpu.memref_slice %arg2[%dma_start3A_30, %mul3A_2] : memref<3x65536xf32, #tpu.memory_space<hbm>> -> memref<1x2048xf32, #tpu.memory_space<hbm>>
    tpu.enqueue_dma source(%dma_start3A_31 : memref<1x2048xf32, #tpu.memory_space<hbm>>) target(%dma_start3A_29 : memref<1x2048xf32, #tpu.memory_space<vmem>>) target_semaphore(%arg14 : memref<!tpu.dma_semaphore, #tpu.memory_space<semaphore_mem>>)
    %dma_start3A_32 = arith.constant 3 : i32
    %dma_start3A_33 = arith.constant 0 : i32
    %dma_start3A_34 = tpu.memref_slice %arg11[%dma_start3A_32, %dma_start3A_33] : memref<16x2048xf32, #tpu.memory_space<vmem>> -> memref<1x2048xf32, #tpu.memory_space<vmem>>
    %dma_start3A_35 = arith.constant 0 : i32
    %dma_start3A_36 = tpu.memref_slice %arg3[%dma_start3A_35, %mul3A_2] : memref<3x65536xf32, #tpu.memory_space<hbm>> -> memref<1x2048xf32, #tpu.memory_space<hbm>>
    %dma_start3A_37 = arith.constant 3 : i32
    %dma_start3A_38 = arith.constant 0 : i32
    %dma_start3A_39 = tpu.memref_slice %arg11[%dma_start3A_37, %dma_start3A_38] : memref<16x2048xf32, #tpu.memory_space<vmem>> -> memref<1x2048xf32, #tpu.memory_space<vmem>>
    %dma_start3A_40 = arith.constant 0 : i32
    %dma_start3A_41 = tpu.memref_slice %arg3[%dma_start3A_40, %mul3A_2] : memref<3x65536xf32, #tpu.memory_space<hbm>> -> memref<1x2048xf32, #tpu.memory_space<hbm>>
    tpu.enqueue_dma source(%dma_start3A_41 : memref<1x2048xf32, #tpu.memory_space<hbm>>) target(%dma_start3A_39 : memref<1x2048xf32, #tpu.memory_space<vmem>>) target_semaphore(%arg14 : memref<!tpu.dma_semaphore, #tpu.memory_space<semaphore_mem>>)
    %dma_start3A_42 = arith.constant 4 : i32
    %dma_start3A_43 = arith.constant 0 : i32
    %dma_start3A_44 = tpu.memref_slice %arg11[%dma_start3A_42, %dma_start3A_43] : memref<16x2048xf32, #tpu.memory_space<vmem>> -> memref<1x2048xf32, #tpu.memory_space<vmem>>
    %dma_start3A_45 = arith.constant 1 : i32
    %dma_start3A_46 = tpu.memref_slice %arg3[%dma_start3A_45, %mul3A_2] : memref<3x65536xf32, #tpu.memory_space<hbm>> -> memref<1x2048xf32, #tpu.memory_space<hbm>>
    %dma_start3A_47 = arith.constant 4 : i32
    %dma_start3A_48 = arith.constant 0 : i32
    %dma_start3A_49 = tpu.memref_slice %arg11[%dma_start3A_47, %dma_start3A_48] : memref<16x2048xf32, #tpu.memory_space<vmem>> -> memref<1x2048xf32, #tpu.memory_space<vmem>>
    %dma_start3A_50 = arith.constant 1 : i32
    %dma_start3A_51 = tpu.memref_slice %arg3[%dma_start3A_50, %mul3A_2] : memref<3x65536xf32, #tpu.memory_space<hbm>> -> memref<1x2048xf32, #tpu.memory_space<hbm>>
    tpu.enqueue_dma source(%dma_start3A_51 : memref<1x2048xf32, #tpu.memory_space<hbm>>) target(%dma_start3A_49 : memref<1x2048xf32, #tpu.memory_space<vmem>>) target_semaphore(%arg14 : memref<!tpu.dma_semaphore, #tpu.memory_space<semaphore_mem>>)
    %dma_start3A_52 = arith.constant 5 : i32
    %dma_start3A_53 = arith.constant 0 : i32
    %dma_start3A_54 = tpu.memref_slice %arg11[%dma_start3A_52, %dma_start3A_53] : memref<16x2048xf32, #tpu.memory_space<vmem>> -> memref<1x2048xf32, #tpu.memory_space<vmem>>
    %dma_start3A_55 = arith.constant 2 : i32
    %dma_start3A_56 = tpu.memref_slice %arg3[%dma_start3A_55, %mul3A_2] : memref<3x65536xf32, #tpu.memory_space<hbm>> -> memref<1x2048xf32, #tpu.memory_space<hbm>>
    %dma_start3A_57 = arith.constant 5 : i32
    %dma_start3A_58 = arith.constant 0 : i32
    %dma_start3A_59 = tpu.memref_slice %arg11[%dma_start3A_57, %dma_start3A_58] : memref<16x2048xf32, #tpu.memory_space<vmem>> -> memref<1x2048xf32, #tpu.memory_space<vmem>>
    %dma_start3A_60 = arith.constant 2 : i32
    %dma_start3A_61 = tpu.memref_slice %arg3[%dma_start3A_60, %mul3A_2] : memref<3x65536xf32, #tpu.memory_space<hbm>> -> memref<1x2048xf32, #tpu.memory_space<hbm>>
    tpu.enqueue_dma source(%dma_start3A_61 : memref<1x2048xf32, #tpu.memory_space<hbm>>) target(%dma_start3A_59 : memref<1x2048xf32, #tpu.memory_space<vmem>>) target_semaphore(%arg14 : memref<!tpu.dma_semaphore, #tpu.memory_space<semaphore_mem>>)
    %dma_start3A_62 = arith.constant 6 : i32
    %dma_start3A_63 = arith.constant 0 : i32
    %dma_start3A_64 = tpu.memref_slice %arg11[%dma_start3A_62, %dma_start3A_63] : memref<16x2048xf32, #tpu.memory_space<vmem>> -> memref<1x2048xf32, #tpu.memory_space<vmem>>
    %dma_start3A_65 = arith.constant 0 : i32
    %dma_start3A_66 = tpu.memref_slice %arg4[%dma_start3A_65, %mul3A_2] : memref<3x65536xf32, #tpu.memory_space<hbm>> -> memref<1x2048xf32, #tpu.memory_space<hbm>>
    %dma_start3A_67 = arith.constant 6 : i32
    %dma_start3A_68 = arith.constant 0 : i32
    %dma_start3A_69 = tpu.memref_slice %arg11[%dma_start3A_67, %dma_start3A_68] : memref<16x2048xf32, #tpu.memory_space<vmem>> -> memref<1x2048xf32, #tpu.memory_space<vmem>>
    %dma_start3A_70 = arith.constant 0 : i32
    %dma_start3A_71 = tpu.memref_slice %arg4[%dma_start3A_70, %mul3A_2] : memref<3x65536xf32, #tpu.memory_space<hbm>> -> memref<1x2048xf32, #tpu.memory_space<hbm>>
    tpu.enqueue_dma source(%dma_start3A_71 : memref<1x2048xf32, #tpu.memory_space<hbm>>) target(%dma_start3A_69 : memref<1x2048xf32, #tpu.memory_space<vmem>>) target_semaphore(%arg14 : memref<!tpu.dma_semaphore, #tpu.memory_space<semaphore_mem>>)
    %dma_start3A_72 = arith.constant 7 : i32
    %dma_start3A_73 = arith.constant 0 : i32
    %dma_start3A_74 = tpu.memref_slice %arg11[%dma_start3A_72, %dma_start3A_73] : memref<16x2048xf32, #tpu.memory_space<vmem>> -> memref<1x2048xf32, #tpu.memory_space<vmem>>
    %dma_start3A_75 = arith.constant 1 : i32
    %dma_start3A_76 = tpu.memref_slice %arg4[%dma_start3A_75, %mul3A_2] : memref<3x65536xf32, #tpu.memory_space<hbm>> -> memref<1x2048xf32, #tpu.memory_space<hbm>>
    %dma_start3A_77 = arith.constant 7 : i32
    %dma_start3A_78 = arith.constant 0 : i32
    %dma_start3A_79 = tpu.memref_slice %arg11[%dma_start3A_77, %dma_start3A_78] : memref<16x2048xf32, #tpu.memory_space<vmem>> -> memref<1x2048xf32, #tpu.memory_space<vmem>>
    %dma_start3A_80 = arith.constant 1 : i32
    %dma_start3A_81 = tpu.memref_slice %arg4[%dma_start3A_80, %mul3A_2] : memref<3x65536xf32, #tpu.memory_space<hbm>> -> memref<1x2048xf32, #tpu.memory_space<hbm>>
    tpu.enqueue_dma source(%dma_start3A_81 : memref<1x2048xf32, #tpu.memory_space<hbm>>) target(%dma_start3A_79 : memref<1x2048xf32, #tpu.memory_space<vmem>>) target_semaphore(%arg14 : memref<!tpu.dma_semaphore, #tpu.memory_space<semaphore_mem>>)
    %dma_start3A_82 = arith.constant 8 : i32
    %dma_start3A_83 = arith.constant 0 : i32
    %dma_start3A_84 = tpu.memref_slice %arg11[%dma_start3A_82, %dma_start3A_83] : memref<16x2048xf32, #tpu.memory_space<vmem>> -> memref<1x2048xf32, #tpu.memory_space<vmem>>
    %dma_start3A_85 = arith.constant 2 : i32
    %dma_start3A_86 = tpu.memref_slice %arg4[%dma_start3A_85, %mul3A_2] : memref<3x65536xf32, #tpu.memory_space<hbm>> -> memref<1x2048xf32, #tpu.memory_space<hbm>>
    %dma_start3A_87 = arith.constant 8 : i32
    %dma_start3A_88 = arith.constant 0 : i32
    %dma_start3A_89 = tpu.memref_slice %arg11[%dma_start3A_87, %dma_start3A_88] : memref<16x2048xf32, #tpu.memory_space<vmem>> -> memref<1x2048xf32, #tpu.memory_space<vmem>>
    %dma_start3A_90 = arith.constant 2 : i32
    %dma_start3A_91 = tpu.memref_slice %arg4[%dma_start3A_90, %mul3A_2] : memref<3x65536xf32, #tpu.memory_space<hbm>> -> memref<1x2048xf32, #tpu.memory_space<hbm>>
    tpu.enqueue_dma source(%dma_start3A_91 : memref<1x2048xf32, #tpu.memory_space<hbm>>) target(%dma_start3A_89 : memref<1x2048xf32, #tpu.memory_space<vmem>>) target_semaphore(%arg14 : memref<!tpu.dma_semaphore, #tpu.memory_space<semaphore_mem>>)
    %dma_start3A_92 = arith.constant 9 : i32
    %dma_start3A_93 = arith.constant 0 : i32
    %dma_start3A_94 = tpu.memref_slice %arg11[%dma_start3A_92, %dma_start3A_93] : memref<16x2048xf32, #tpu.memory_space<vmem>> -> memref<1x2048xf32, #tpu.memory_space<vmem>>
    %dma_start3A_95 = arith.constant 0 : i32
    %dma_start3A_96 = tpu.memref_slice %arg5[%dma_start3A_95, %mul3A_2] : memref<3x65536xf32, #tpu.memory_space<hbm>> -> memref<1x2048xf32, #tpu.memory_space<hbm>>
    %dma_start3A_97 = arith.constant 9 : i32
    %dma_start3A_98 = arith.constant 0 : i32
    %dma_start3A_99 = tpu.memref_slice %arg11[%dma_start3A_97, %dma_start3A_98] : memref<16x2048xf32, #tpu.memory_space<vmem>> -> memref<1x2048xf32, #tpu.memory_space<vmem>>
    %dma_start3A_100 = arith.constant 0 : i32
    %dma_start3A_101 = tpu.memref_slice %arg5[%dma_start3A_100, %mul3A_2] : memref<3x65536xf32, #tpu.memory_space<hbm>> -> memref<1x2048xf32, #tpu.memory_space<hbm>>
    tpu.enqueue_dma source(%dma_start3A_101 : memref<1x2048xf32, #tpu.memory_space<hbm>>) target(%dma_start3A_99 : memref<1x2048xf32, #tpu.memory_space<vmem>>) target_semaphore(%arg14 : memref<!tpu.dma_semaphore, #tpu.memory_space<semaphore_mem>>)
    %dma_start3A_102 = arith.constant 10 : i32
    %dma_start3A_103 = arith.constant 0 : i32
    %dma_start3A_104 = tpu.memref_slice %arg11[%dma_start3A_102, %dma_start3A_103] : memref<16x2048xf32, #tpu.memory_space<vmem>> -> memref<1x2048xf32, #tpu.memory_space<vmem>>
    %dma_start3A_105 = arith.constant 1 : i32
    %dma_start3A_106 = tpu.memref_slice %arg5[%dma_start3A_105, %mul3A_2] : memref<3x65536xf32, #tpu.memory_space<hbm>> -> memref<1x2048xf32, #tpu.memory_space<hbm>>
    %dma_start3A_107 = arith.constant 10 : i32
    %dma_start3A_108 = arith.constant 0 : i32
    %dma_start3A_109 = tpu.memref_slice %arg11[%dma_start3A_107, %dma_start3A_108] : memref<16x2048xf32, #tpu.memory_space<vmem>> -> memref<1x2048xf32, #tpu.memory_space<vmem>>
    %dma_start3A_110 = arith.constant 1 : i32
    %dma_start3A_111 = tpu.memref_slice %arg5[%dma_start3A_110, %mul3A_2] : memref<3x65536xf32, #tpu.memory_space<hbm>> -> memref<1x2048xf32, #tpu.memory_space<hbm>>
    tpu.enqueue_dma source(%dma_start3A_111 : memref<1x2048xf32, #tpu.memory_space<hbm>>) target(%dma_start3A_109 : memref<1x2048xf32, #tpu.memory_space<vmem>>) target_semaphore(%arg14 : memref<!tpu.dma_semaphore, #tpu.memory_space<semaphore_mem>>)
    %dma_start3A_112 = arith.constant 11 : i32
    %dma_start3A_113 = arith.constant 0 : i32
    %dma_start3A_114 = tpu.memref_slice %arg11[%dma_start3A_112, %dma_start3A_113] : memref<16x2048xf32, #tpu.memory_space<vmem>> -> memref<1x2048xf32, #tpu.memory_space<vmem>>
    %dma_start3A_115 = arith.constant 2 : i32
    %dma_start3A_116 = tpu.memref_slice %arg5[%dma_start3A_115, %mul3A_2] : memref<3x65536xf32, #tpu.memory_space<hbm>> -> memref<1x2048xf32, #tpu.memory_space<hbm>>
    %dma_start3A_117 = arith.constant 11 : i32
    %dma_start3A_118 = arith.constant 0 : i32
    %dma_start3A_119 = tpu.memref_slice %arg11[%dma_start3A_117, %dma_start3A_118] : memref<16x2048xf32, #tpu.memory_space<vmem>> -> memref<1x2048xf32, #tpu.memory_space<vmem>>
    %dma_start3A_120 = arith.constant 2 : i32
    %dma_start3A_121 = tpu.memref_slice %arg5[%dma_start3A_120, %mul3A_2] : memref<3x65536xf32, #tpu.memory_space<hbm>> -> memref<1x2048xf32, #tpu.memory_space<hbm>>
    tpu.enqueue_dma source(%dma_start3A_121 : memref<1x2048xf32, #tpu.memory_space<hbm>>) target(%dma_start3A_119 : memref<1x2048xf32, #tpu.memory_space<vmem>>) target_semaphore(%arg14 : memref<!tpu.dma_semaphore, #tpu.memory_space<semaphore_mem>>)
    %dma_start3A_122 = arith.constant 0 : i32
    %dma_start3A_123 = tpu.memref_slice %arg12[%dma_start3A_122] : memref<8192xf32, #tpu.memory_space<vmem>> -> memref<2048xf32, #tpu.memory_space<vmem>>
    %dma_start3A_124 = tpu.memref_slice %arg6[%mul3A_2] : memref<65536xf32, #tpu.memory_space<hbm>> -> memref<2048xf32, #tpu.memory_space<hbm>>
    %dma_start3A_125 = arith.constant 0 : i32
    %dma_start3A_126 = tpu.memref_slice %arg12[%dma_start3A_125] : memref<8192xf32, #tpu.memory_space<vmem>> -> memref<2048xf32, #tpu.memory_space<vmem>>
    %dma_start3A_127 = tpu.memref_slice %arg6[%mul3A_2] : memref<65536xf32, #tpu.memory_space<hbm>> -> memref<2048xf32, #tpu.memory_space<hbm>>
    tpu.enqueue_dma source(%dma_start3A_127 : memref<2048xf32, #tpu.memory_space<hbm>>) target(%dma_start3A_126 : memref<2048xf32, #tpu.memory_space<vmem>>) target_semaphore(%arg14 : memref<!tpu.dma_semaphore, #tpu.memory_space<semaphore_mem>>)
    %dma_start3A_128 = arith.constant 2048 : i32
    %dma_start3A_129 = tpu.memref_slice %arg12[%dma_start3A_128] : memref<8192xf32, #tpu.memory_space<vmem>> -> memref<2048xf32, #tpu.memory_space<vmem>>
    %dma_start3A_130 = tpu.memref_slice %arg7[%mul3A_2] : memref<65536xf32, #tpu.memory_space<hbm>> -> memref<2048xf32, #tpu.memory_space<hbm>>
    %dma_start3A_131 = arith.constant 2048 : i32
    %dma_start3A_132 = tpu.memref_slice %arg12[%dma_start3A_131] : memref<8192xf32, #tpu.memory_space<vmem>> -> memref<2048xf32, #tpu.memory_space<vmem>>
    %dma_start3A_133 = tpu.memref_slice %arg7[%mul3A_2] : memref<65536xf32, #tpu.memory_space<hbm>> -> memref<2048xf32, #tpu.memory_space<hbm>>
    tpu.enqueue_dma source(%dma_start3A_133 : memref<2048xf32, #tpu.memory_space<hbm>>) target(%dma_start3A_132 : memref<2048xf32, #tpu.memory_space<vmem>>) target_semaphore(%arg14 : memref<!tpu.dma_semaphore, #tpu.memory_space<semaphore_mem>>)
    %dma_start3A_134 = arith.constant 4096 : i32
    %dma_start3A_135 = tpu.memref_slice %arg12[%dma_start3A_134] : memref<8192xf32, #tpu.memory_space<vmem>> -> memref<2048xf32, #tpu.memory_space<vmem>>
    %dma_start3A_136 = tpu.memref_slice %arg8[%mul3A_2] : memref<65536xf32, #tpu.memory_space<hbm>> -> memref<2048xf32, #tpu.memory_space<hbm>>
    %dma_start3A_137 = arith.constant 4096 : i32
    %dma_start3A_138 = tpu.memref_slice %arg12[%dma_start3A_137] : memref<8192xf32, #tpu.memory_space<vmem>> -> memref<2048xf32, #tpu.memory_space<vmem>>
    %dma_start3A_139 = tpu.memref_slice %arg8[%mul3A_2] : memref<65536xf32, #tpu.memory_space<hbm>> -> memref<2048xf32, #tpu.memory_space<hbm>>
    tpu.enqueue_dma source(%dma_start3A_139 : memref<2048xf32, #tpu.memory_space<hbm>>) target(%dma_start3A_138 : memref<2048xf32, #tpu.memory_space<vmem>>) target_semaphore(%arg14 : memref<!tpu.dma_semaphore, #tpu.memory_space<semaphore_mem>>)
    %dma_start3A_140 = arith.constant 6144 : i32
    %dma_start3A_141 = tpu.memref_slice %arg12[%dma_start3A_140] : memref<8192xf32, #tpu.memory_space<vmem>> -> memref<2048xf32, #tpu.memory_space<vmem>>
    %dma_start3A_142 = tpu.memref_slice %arg9[%mul3A_2] : memref<65536xf32, #tpu.memory_space<hbm>> -> memref<2048xf32, #tpu.memory_space<hbm>>
    %dma_start3A_143 = arith.constant 6144 : i32
    %dma_start3A_144 = tpu.memref_slice %arg12[%dma_start3A_143] : memref<8192xf32, #tpu.memory_space<vmem>> -> memref<2048xf32, #tpu.memory_space<vmem>>
    %dma_start3A_145 = tpu.memref_slice %arg9[%mul3A_2] : memref<65536xf32, #tpu.memory_space<hbm>> -> memref<2048xf32, #tpu.memory_space<hbm>>
    tpu.enqueue_dma source(%dma_start3A_145 : memref<2048xf32, #tpu.memory_space<hbm>>) target(%dma_start3A_144 : memref<2048xf32, #tpu.memory_space<vmem>>) target_semaphore(%arg14 : memref<!tpu.dma_semaphore, #tpu.memory_space<semaphore_mem>>)
    %dma_wait3A = arith.constant 0 : i32
    %dma_wait3A_146 = arith.constant 0 : i32
    %dma_wait3A_147 = tpu.memref_slice %arg11[%dma_wait3A, %dma_wait3A_146] : memref<16x2048xf32, #tpu.memory_space<vmem>> -> memref<1x2048xf32, #tpu.memory_space<vmem>>
    %dma_wait3A_148 = arith.constant 0 : i32
    %dma_wait3A_149 = tpu.memref_slice %arg2[%dma_wait3A_148, %mul3A_2] : memref<3x65536xf32, #tpu.memory_space<hbm>> -> memref<1x2048xf32, #tpu.memory_space<hbm>>
    %dma_wait3A_150 = arith.constant 0 : i32
    %dma_wait3A_151 = arith.constant 0 : i32
    %dma_wait3A_152 = tpu.memref_slice %arg11[%dma_wait3A_150, %dma_wait3A_151] : memref<16x2048xf32, #tpu.memory_space<vmem>> -> memref<1x2048xf32, #tpu.memory_space<vmem>>
    %dma_wait3A_153 = arith.constant 0 : i32
    %dma_wait3A_154 = tpu.memref_slice %arg2[%dma_wait3A_153, %mul3A_2] : memref<3x65536xf32, #tpu.memory_space<hbm>> -> memref<1x2048xf32, #tpu.memory_space<hbm>>
    tpu.wait_dma2 semaphore(%arg14 : memref<!tpu.dma_semaphore, #tpu.memory_space<semaphore_mem>>) src(%dma_wait3A_154 : memref<1x2048xf32, #tpu.memory_space<hbm>>) dst(%dma_wait3A_152 : memref<1x2048xf32, #tpu.memory_space<vmem>>)
    %dma_wait3A_155 = arith.constant 1 : i32
    %dma_wait3A_156 = arith.constant 0 : i32
    %dma_wait3A_157 = tpu.memref_slice %arg11[%dma_wait3A_155, %dma_wait3A_156] : memref<16x2048xf32, #tpu.memory_space<vmem>> -> memref<1x2048xf32, #tpu.memory_space<vmem>>
    %dma_wait3A_158 = arith.constant 1 : i32
    %dma_wait3A_159 = tpu.memref_slice %arg2[%dma_wait3A_158, %mul3A_2] : memref<3x65536xf32, #tpu.memory_space<hbm>> -> memref<1x2048xf32, #tpu.memory_space<hbm>>
    %dma_wait3A_160 = arith.constant 1 : i32
    %dma_wait3A_161 = arith.constant 0 : i32
    %dma_wait3A_162 = tpu.memref_slice %arg11[%dma_wait3A_160, %dma_wait3A_161] : memref<16x2048xf32, #tpu.memory_space<vmem>> -> memref<1x2048xf32, #tpu.memory_space<vmem>>
    %dma_wait3A_163 = arith.constant 1 : i32
    %dma_wait3A_164 = tpu.memref_slice %arg2[%dma_wait3A_163, %mul3A_2] : memref<3x65536xf32, #tpu.memory_space<hbm>> -> memref<1x2048xf32, #tpu.memory_space<hbm>>
    tpu.wait_dma2 semaphore(%arg14 : memref<!tpu.dma_semaphore, #tpu.memory_space<semaphore_mem>>) src(%dma_wait3A_164 : memref<1x2048xf32, #tpu.memory_space<hbm>>) dst(%dma_wait3A_162 : memref<1x2048xf32, #tpu.memory_space<vmem>>)
    %dma_wait3A_165 = arith.constant 2 : i32
    %dma_wait3A_166 = arith.constant 0 : i32
    %dma_wait3A_167 = tpu.memref_slice %arg11[%dma_wait3A_165, %dma_wait3A_166] : memref<16x2048xf32, #tpu.memory_space<vmem>> -> memref<1x2048xf32, #tpu.memory_space<vmem>>
    %dma_wait3A_168 = arith.constant 2 : i32
    %dma_wait3A_169 = tpu.memref_slice %arg2[%dma_wait3A_168, %mul3A_2] : memref<3x65536xf32, #tpu.memory_space<hbm>> -> memref<1x2048xf32, #tpu.memory_space<hbm>>
    %dma_wait3A_170 = arith.constant 2 : i32
    %dma_wait3A_171 = arith.constant 0 : i32
    %dma_wait3A_172 = tpu.memref_slice %arg11[%dma_wait3A_170, %dma_wait3A_171] : memref<16x2048xf32, #tpu.memory_space<vmem>> -> memref<1x2048xf32, #tpu.memory_space<vmem>>
    %dma_wait3A_173 = arith.constant 2 : i32
    %dma_wait3A_174 = tpu.memref_slice %arg2[%dma_wait3A_173, %mul3A_2] : memref<3x65536xf32, #tpu.memory_space<hbm>> -> memref<1x2048xf32, #tpu.memory_space<hbm>>
    tpu.wait_dma2 semaphore(%arg14 : memref<!tpu.dma_semaphore, #tpu.memory_space<semaphore_mem>>) src(%dma_wait3A_174 : memref<1x2048xf32, #tpu.memory_space<hbm>>) dst(%dma_wait3A_172 : memref<1x2048xf32, #tpu.memory_space<vmem>>)
    %dma_wait3A_175 = arith.constant 3 : i32
    %dma_wait3A_176 = arith.constant 0 : i32
    %dma_wait3A_177 = tpu.memref_slice %arg11[%dma_wait3A_175, %dma_wait3A_176] : memref<16x2048xf32, #tpu.memory_space<vmem>> -> memref<1x2048xf32, #tpu.memory_space<vmem>>
    %dma_wait3A_178 = arith.constant 0 : i32
    %dma_wait3A_179 = tpu.memref_slice %arg3[%dma_wait3A_178, %mul3A_2] : memref<3x65536xf32, #tpu.memory_space<hbm>> -> memref<1x2048xf32, #tpu.memory_space<hbm>>
    %dma_wait3A_180 = arith.constant 3 : i32
    %dma_wait3A_181 = arith.constant 0 : i32
    %dma_wait3A_182 = tpu.memref_slice %arg11[%dma_wait3A_180, %dma_wait3A_181] : memref<16x2048xf32, #tpu.memory_space<vmem>> -> memref<1x2048xf32, #tpu.memory_space<vmem>>
    %dma_wait3A_183 = arith.constant 0 : i32
    %dma_wait3A_184 = tpu.memref_slice %arg3[%dma_wait3A_183, %mul3A_2] : memref<3x65536xf32, #tpu.memory_space<hbm>> -> memref<1x2048xf32, #tpu.memory_space<hbm>>
    tpu.wait_dma2 semaphore(%arg14 : memref<!tpu.dma_semaphore, #tpu.memory_space<semaphore_mem>>) src(%dma_wait3A_184 : memref<1x2048xf32, #tpu.memory_space<hbm>>) dst(%dma_wait3A_182 : memref<1x2048xf32, #tpu.memory_space<vmem>>)
    %dma_wait3A_185 = arith.constant 4 : i32
    %dma_wait3A_186 = arith.constant 0 : i32
    %dma_wait3A_187 = tpu.memref_slice %arg11[%dma_wait3A_185, %dma_wait3A_186] : memref<16x2048xf32, #tpu.memory_space<vmem>> -> memref<1x2048xf32, #tpu.memory_space<vmem>>
    %dma_wait3A_188 = arith.constant 1 : i32
    %dma_wait3A_189 = tpu.memref_slice %arg3[%dma_wait3A_188, %mul3A_2] : memref<3x65536xf32, #tpu.memory_space<hbm>> -> memref<1x2048xf32, #tpu.memory_space<hbm>>
    %dma_wait3A_190 = arith.constant 4 : i32
    %dma_wait3A_191 = arith.constant 0 : i32
    %dma_wait3A_192 = tpu.memref_slice %arg11[%dma_wait3A_190, %dma_wait3A_191] : memref<16x2048xf32, #tpu.memory_space<vmem>> -> memref<1x2048xf32, #tpu.memory_space<vmem>>
    %dma_wait3A_193 = arith.constant 1 : i32
    %dma_wait3A_194 = tpu.memref_slice %arg3[%dma_wait3A_193, %mul3A_2] : memref<3x65536xf32, #tpu.memory_space<hbm>> -> memref<1x2048xf32, #tpu.memory_space<hbm>>
    tpu.wait_dma2 semaphore(%arg14 : memref<!tpu.dma_semaphore, #tpu.memory_space<semaphore_mem>>) src(%dma_wait3A_194 : memref<1x2048xf32, #tpu.memory_space<hbm>>) dst(%dma_wait3A_192 : memref<1x2048xf32, #tpu.memory_space<vmem>>)
    %dma_wait3A_195 = arith.constant 5 : i32
    %dma_wait3A_196 = arith.constant 0 : i32
    %dma_wait3A_197 = tpu.memref_slice %arg11[%dma_wait3A_195, %dma_wait3A_196] : memref<16x2048xf32, #tpu.memory_space<vmem>> -> memref<1x2048xf32, #tpu.memory_space<vmem>>
    %dma_wait3A_198 = arith.constant 2 : i32
    %dma_wait3A_199 = tpu.memref_slice %arg3[%dma_wait3A_198, %mul3A_2] : memref<3x65536xf32, #tpu.memory_space<hbm>> -> memref<1x2048xf32, #tpu.memory_space<hbm>>
    %dma_wait3A_200 = arith.constant 5 : i32
    %dma_wait3A_201 = arith.constant 0 : i32
    %dma_wait3A_202 = tpu.memref_slice %arg11[%dma_wait3A_200, %dma_wait3A_201] : memref<16x2048xf32, #tpu.memory_space<vmem>> -> memref<1x2048xf32, #tpu.memory_space<vmem>>
    %dma_wait3A_203 = arith.constant 2 : i32
    %dma_wait3A_204 = tpu.memref_slice %arg3[%dma_wait3A_203, %mul3A_2] : memref<3x65536xf32, #tpu.memory_space<hbm>> -> memref<1x2048xf32, #tpu.memory_space<hbm>>
    tpu.wait_dma2 semaphore(%arg14 : memref<!tpu.dma_semaphore, #tpu.memory_space<semaphore_mem>>) src(%dma_wait3A_204 : memref<1x2048xf32, #tpu.memory_space<hbm>>) dst(%dma_wait3A_202 : memref<1x2048xf32, #tpu.memory_space<vmem>>)
    %dma_wait3A_205 = arith.constant 6 : i32
    %dma_wait3A_206 = arith.constant 0 : i32
    %dma_wait3A_207 = tpu.memref_slice %arg11[%dma_wait3A_205, %dma_wait3A_206] : memref<16x2048xf32, #tpu.memory_space<vmem>> -> memref<1x2048xf32, #tpu.memory_space<vmem>>
    %dma_wait3A_208 = arith.constant 0 : i32
    %dma_wait3A_209 = tpu.memref_slice %arg4[%dma_wait3A_208, %mul3A_2] : memref<3x65536xf32, #tpu.memory_space<hbm>> -> memref<1x2048xf32, #tpu.memory_space<hbm>>
    %dma_wait3A_210 = arith.constant 6 : i32
    %dma_wait3A_211 = arith.constant 0 : i32
    %dma_wait3A_212 = tpu.memref_slice %arg11[%dma_wait3A_210, %dma_wait3A_211] : memref<16x2048xf32, #tpu.memory_space<vmem>> -> memref<1x2048xf32, #tpu.memory_space<vmem>>
    %dma_wait3A_213 = arith.constant 0 : i32
    %dma_wait3A_214 = tpu.memref_slice %arg4[%dma_wait3A_213, %mul3A_2] : memref<3x65536xf32, #tpu.memory_space<hbm>> -> memref<1x2048xf32, #tpu.memory_space<hbm>>
    tpu.wait_dma2 semaphore(%arg14 : memref<!tpu.dma_semaphore, #tpu.memory_space<semaphore_mem>>) src(%dma_wait3A_214 : memref<1x2048xf32, #tpu.memory_space<hbm>>) dst(%dma_wait3A_212 : memref<1x2048xf32, #tpu.memory_space<vmem>>)
    %dma_wait3A_215 = arith.constant 7 : i32
    %dma_wait3A_216 = arith.constant 0 : i32
    %dma_wait3A_217 = tpu.memref_slice %arg11[%dma_wait3A_215, %dma_wait3A_216] : memref<16x2048xf32, #tpu.memory_space<vmem>> -> memref<1x2048xf32, #tpu.memory_space<vmem>>
    %dma_wait3A_218 = arith.constant 1 : i32
    %dma_wait3A_219 = tpu.memref_slice %arg4[%dma_wait3A_218, %mul3A_2] : memref<3x65536xf32, #tpu.memory_space<hbm>> -> memref<1x2048xf32, #tpu.memory_space<hbm>>
    %dma_wait3A_220 = arith.constant 7 : i32
    %dma_wait3A_221 = arith.constant 0 : i32
    %dma_wait3A_222 = tpu.memref_slice %arg11[%dma_wait3A_220, %dma_wait3A_221] : memref<16x2048xf32, #tpu.memory_space<vmem>> -> memref<1x2048xf32, #tpu.memory_space<vmem>>
    %dma_wait3A_223 = arith.constant 1 : i32
    %dma_wait3A_224 = tpu.memref_slice %arg4[%dma_wait3A_223, %mul3A_2] : memref<3x65536xf32, #tpu.memory_space<hbm>> -> memref<1x2048xf32, #tpu.memory_space<hbm>>
    tpu.wait_dma2 semaphore(%arg14 : memref<!tpu.dma_semaphore, #tpu.memory_space<semaphore_mem>>) src(%dma_wait3A_224 : memref<1x2048xf32, #tpu.memory_space<hbm>>) dst(%dma_wait3A_222 : memref<1x2048xf32, #tpu.memory_space<vmem>>)
    %dma_wait3A_225 = arith.constant 8 : i32
    %dma_wait3A_226 = arith.constant 0 : i32
    %dma_wait3A_227 = tpu.memref_slice %arg11[%dma_wait3A_225, %dma_wait3A_226] : memref<16x2048xf32, #tpu.memory_space<vmem>> -> memref<1x2048xf32, #tpu.memory_space<vmem>>
    %dma_wait3A_228 = arith.constant 2 : i32
    %dma_wait3A_229 = tpu.memref_slice %arg4[%dma_wait3A_228, %mul3A_2] : memref<3x65536xf32, #tpu.memory_space<hbm>> -> memref<1x2048xf32, #tpu.memory_space<hbm>>
    %dma_wait3A_230 = arith.constant 8 : i32
    %dma_wait3A_231 = arith.constant 0 : i32
    %dma_wait3A_232 = tpu.memref_slice %arg11[%dma_wait3A_230, %dma_wait3A_231] : memref<16x2048xf32, #tpu.memory_space<vmem>> -> memref<1x2048xf32, #tpu.memory_space<vmem>>
    %dma_wait3A_233 = arith.constant 2 : i32
    %dma_wait3A_234 = tpu.memref_slice %arg4[%dma_wait3A_233, %mul3A_2] : memref<3x65536xf32, #tpu.memory_space<hbm>> -> memref<1x2048xf32, #tpu.memory_space<hbm>>
    tpu.wait_dma2 semaphore(%arg14 : memref<!tpu.dma_semaphore, #tpu.memory_space<semaphore_mem>>) src(%dma_wait3A_234 : memref<1x2048xf32, #tpu.memory_space<hbm>>) dst(%dma_wait3A_232 : memref<1x2048xf32, #tpu.memory_space<vmem>>)
    %dma_wait3A_235 = arith.constant 9 : i32
    %dma_wait3A_236 = arith.constant 0 : i32
    %dma_wait3A_237 = tpu.memref_slice %arg11[%dma_wait3A_235, %dma_wait3A_236] : memref<16x2048xf32, #tpu.memory_space<vmem>> -> memref<1x2048xf32, #tpu.memory_space<vmem>>
    %dma_wait3A_238 = arith.constant 0 : i32
    %dma_wait3A_239 = tpu.memref_slice %arg5[%dma_wait3A_238, %mul3A_2] : memref<3x65536xf32, #tpu.memory_space<hbm>> -> memref<1x2048xf32, #tpu.memory_space<hbm>>
    %dma_wait3A_240 = arith.constant 9 : i32
    %dma_wait3A_241 = arith.constant 0 : i32
    %dma_wait3A_242 = tpu.memref_slice %arg11[%dma_wait3A_240, %dma_wait3A_241] : memref<16x2048xf32, #tpu.memory_space<vmem>> -> memref<1x2048xf32, #tpu.memory_space<vmem>>
    %dma_wait3A_243 = arith.constant 0 : i32
    %dma_wait3A_244 = tpu.memref_slice %arg5[%dma_wait3A_243, %mul3A_2] : memref<3x65536xf32, #tpu.memory_space<hbm>> -> memref<1x2048xf32, #tpu.memory_space<hbm>>
    tpu.wait_dma2 semaphore(%arg14 : memref<!tpu.dma_semaphore, #tpu.memory_space<semaphore_mem>>) src(%dma_wait3A_244 : memref<1x2048xf32, #tpu.memory_space<hbm>>) dst(%dma_wait3A_242 : memref<1x2048xf32, #tpu.memory_space<vmem>>)
    %dma_wait3A_245 = arith.constant 10 : i32
    %dma_wait3A_246 = arith.constant 0 : i32
    %dma_wait3A_247 = tpu.memref_slice %arg11[%dma_wait3A_245, %dma_wait3A_246] : memref<16x2048xf32, #tpu.memory_space<vmem>> -> memref<1x2048xf32, #tpu.memory_space<vmem>>
    %dma_wait3A_248 = arith.constant 1 : i32
    %dma_wait3A_249 = tpu.memref_slice %arg5[%dma_wait3A_248, %mul3A_2] : memref<3x65536xf32, #tpu.memory_space<hbm>> -> memref<1x2048xf32, #tpu.memory_space<hbm>>
    %dma_wait3A_250 = arith.constant 10 : i32
    %dma_wait3A_251 = arith.constant 0 : i32
    %dma_wait3A_252 = tpu.memref_slice %arg11[%dma_wait3A_250, %dma_wait3A_251] : memref<16x2048xf32, #tpu.memory_space<vmem>> -> memref<1x2048xf32, #tpu.memory_space<vmem>>
    %dma_wait3A_253 = arith.constant 1 : i32
    %dma_wait3A_254 = tpu.memref_slice %arg5[%dma_wait3A_253, %mul3A_2] : memref<3x65536xf32, #tpu.memory_space<hbm>> -> memref<1x2048xf32, #tpu.memory_space<hbm>>
    tpu.wait_dma2 semaphore(%arg14 : memref<!tpu.dma_semaphore, #tpu.memory_space<semaphore_mem>>) src(%dma_wait3A_254 : memref<1x2048xf32, #tpu.memory_space<hbm>>) dst(%dma_wait3A_252 : memref<1x2048xf32, #tpu.memory_space<vmem>>)
    %dma_wait3A_255 = arith.constant 11 : i32
    %dma_wait3A_256 = arith.constant 0 : i32
    %dma_wait3A_257 = tpu.memref_slice %arg11[%dma_wait3A_255, %dma_wait3A_256] : memref<16x2048xf32, #tpu.memory_space<vmem>> -> memref<1x2048xf32, #tpu.memory_space<vmem>>
    %dma_wait3A_258 = arith.constant 2 : i32
    %dma_wait3A_259 = tpu.memref_slice %arg5[%dma_wait3A_258, %mul3A_2] : memref<3x65536xf32, #tpu.memory_space<hbm>> -> memref<1x2048xf32, #tpu.memory_space<hbm>>
    %dma_wait3A_260 = arith.constant 11 : i32
    %dma_wait3A_261 = arith.constant 0 : i32
    %dma_wait3A_262 = tpu.memref_slice %arg11[%dma_wait3A_260, %dma_wait3A_261] : memref<16x2048xf32, #tpu.memory_space<vmem>> -> memref<1x2048xf32, #tpu.memory_space<vmem>>
    %dma_wait3A_263 = arith.constant 2 : i32
    %dma_wait3A_264 = tpu.memref_slice %arg5[%dma_wait3A_263, %mul3A_2] : memref<3x65536xf32, #tpu.memory_space<hbm>> -> memref<1x2048xf32, #tpu.memory_space<hbm>>
    tpu.wait_dma2 semaphore(%arg14 : memref<!tpu.dma_semaphore, #tpu.memory_space<semaphore_mem>>) src(%dma_wait3A_264 : memref<1x2048xf32, #tpu.memory_space<hbm>>) dst(%dma_wait3A_262 : memref<1x2048xf32, #tpu.memory_space<vmem>>)
    %dma_wait3A_265 = arith.constant 0 : i32
    %dma_wait3A_266 = tpu.memref_slice %arg12[%dma_wait3A_265] : memref<8192xf32, #tpu.memory_space<vmem>> -> memref<2048xf32, #tpu.memory_space<vmem>>
    %dma_wait3A_267 = tpu.memref_slice %arg6[%mul3A_2] : memref<65536xf32, #tpu.memory_space<hbm>> -> memref<2048xf32, #tpu.memory_space<hbm>>
    %dma_wait3A_268 = arith.constant 0 : i32
    %dma_wait3A_269 = tpu.memref_slice %arg12[%dma_wait3A_268] : memref<8192xf32, #tpu.memory_space<vmem>> -> memref<2048xf32, #tpu.memory_space<vmem>>
    %dma_wait3A_270 = tpu.memref_slice %arg6[%mul3A_2] : memref<65536xf32, #tpu.memory_space<hbm>> -> memref<2048xf32, #tpu.memory_space<hbm>>
    tpu.wait_dma2 semaphore(%arg14 : memref<!tpu.dma_semaphore, #tpu.memory_space<semaphore_mem>>) src(%dma_wait3A_270 : memref<2048xf32, #tpu.memory_space<hbm>>) dst(%dma_wait3A_269 : memref<2048xf32, #tpu.memory_space<vmem>>)
    %dma_wait3A_271 = arith.constant 2048 : i32
    %dma_wait3A_272 = tpu.memref_slice %arg12[%dma_wait3A_271] : memref<8192xf32, #tpu.memory_space<vmem>> -> memref<2048xf32, #tpu.memory_space<vmem>>
    %dma_wait3A_273 = tpu.memref_slice %arg7[%mul3A_2] : memref<65536xf32, #tpu.memory_space<hbm>> -> memref<2048xf32, #tpu.memory_space<hbm>>
    %dma_wait3A_274 = arith.constant 2048 : i32
    %dma_wait3A_275 = tpu.memref_slice %arg12[%dma_wait3A_274] : memref<8192xf32, #tpu.memory_space<vmem>> -> memref<2048xf32, #tpu.memory_space<vmem>>
    %dma_wait3A_276 = tpu.memref_slice %arg7[%mul3A_2] : memref<65536xf32, #tpu.memory_space<hbm>> -> memref<2048xf32, #tpu.memory_space<hbm>>
    tpu.wait_dma2 semaphore(%arg14 : memref<!tpu.dma_semaphore, #tpu.memory_space<semaphore_mem>>) src(%dma_wait3A_276 : memref<2048xf32, #tpu.memory_space<hbm>>) dst(%dma_wait3A_275 : memref<2048xf32, #tpu.memory_space<vmem>>)
    %dma_wait3A_277 = arith.constant 4096 : i32
    %dma_wait3A_278 = tpu.memref_slice %arg12[%dma_wait3A_277] : memref<8192xf32, #tpu.memory_space<vmem>> -> memref<2048xf32, #tpu.memory_space<vmem>>
    %dma_wait3A_279 = tpu.memref_slice %arg8[%mul3A_2] : memref<65536xf32, #tpu.memory_space<hbm>> -> memref<2048xf32, #tpu.memory_space<hbm>>
    %dma_wait3A_280 = arith.constant 4096 : i32
    %dma_wait3A_281 = tpu.memref_slice %arg12[%dma_wait3A_280] : memref<8192xf32, #tpu.memory_space<vmem>> -> memref<2048xf32, #tpu.memory_space<vmem>>
    %dma_wait3A_282 = tpu.memref_slice %arg8[%mul3A_2] : memref<65536xf32, #tpu.memory_space<hbm>> -> memref<2048xf32, #tpu.memory_space<hbm>>
    tpu.wait_dma2 semaphore(%arg14 : memref<!tpu.dma_semaphore, #tpu.memory_space<semaphore_mem>>) src(%dma_wait3A_282 : memref<2048xf32, #tpu.memory_space<hbm>>) dst(%dma_wait3A_281 : memref<2048xf32, #tpu.memory_space<vmem>>)
    %dma_wait3A_283 = arith.constant 6144 : i32
    %dma_wait3A_284 = tpu.memref_slice %arg12[%dma_wait3A_283] : memref<8192xf32, #tpu.memory_space<vmem>> -> memref<2048xf32, #tpu.memory_space<vmem>>
    %dma_wait3A_285 = tpu.memref_slice %arg9[%mul3A_2] : memref<65536xf32, #tpu.memory_space<hbm>> -> memref<2048xf32, #tpu.memory_space<hbm>>
    %dma_wait3A_286 = arith.constant 6144 : i32
    %dma_wait3A_287 = tpu.memref_slice %arg12[%dma_wait3A_286] : memref<8192xf32, #tpu.memory_space<vmem>> -> memref<2048xf32, #tpu.memory_space<vmem>>
    %dma_wait3A_288 = tpu.memref_slice %arg9[%mul3A_2] : memref<65536xf32, #tpu.memory_space<hbm>> -> memref<2048xf32, #tpu.memory_space<hbm>>
    tpu.wait_dma2 semaphore(%arg14 : memref<!tpu.dma_semaphore, #tpu.memory_space<semaphore_mem>>) src(%dma_wait3A_288 : memref<2048xf32, #tpu.memory_space<hbm>>) dst(%dma_wait3A_287 : memref<2048xf32, #tpu.memory_space<vmem>>)
    %iota3A = tpu.iota {dimensions = array<i32: 0>} : vector<16xi32>
    %broadcast_in_dim3A = arith.constant 0 : i32
    %broadcast_in_dim3A_289 = vector.broadcast %broadcast_in_dim3A : i32 to vector<16xi32>
    %broadcast_in_dim3A_290 = arith.constant 1 : i32
    %broadcast_in_dim3A_291 = vector.broadcast %broadcast_in_dim3A_290 : i32 to vector<16xi32>
    %broadcast_in_dim3A_292 = arith.constant 2 : i32
    %broadcast_in_dim3A_293 = vector.broadcast %broadcast_in_dim3A_292 : i32 to vector<16xi32>
    %broadcast_in_dim3A_294 = arith.constant 3 : i32
    %broadcast_in_dim3A_295 = vector.broadcast %broadcast_in_dim3A_294 : i32 to vector<16xi32>
    %broadcast_in_dim3A_296 = arith.constant 4 : i32
    %broadcast_in_dim3A_297 = vector.broadcast %broadcast_in_dim3A_296 : i32 to vector<16xi32>
    %broadcast_in_dim3A_298 = arith.constant 5 : i32
    %broadcast_in_dim3A_299 = vector.broadcast %broadcast_in_dim3A_298 : i32 to vector<16xi32>
    %broadcast_in_dim3A_300 = arith.constant 6 : i32
    %broadcast_in_dim3A_301 = vector.broadcast %broadcast_in_dim3A_300 : i32 to vector<16xi32>
    %broadcast_in_dim3A_302 = arith.constant 7 : i32
    %broadcast_in_dim3A_303 = vector.broadcast %broadcast_in_dim3A_302 : i32 to vector<16xi32>
    %broadcast_in_dim3A_304 = arith.constant 8 : i32
    %broadcast_in_dim3A_305 = vector.broadcast %broadcast_in_dim3A_304 : i32 to vector<16xi32>
    %broadcast_in_dim3A_306 = arith.constant 9 : i32
    %broadcast_in_dim3A_307 = vector.broadcast %broadcast_in_dim3A_306 : i32 to vector<16xi32>
    %broadcast_in_dim3A_308 = arith.constant 10 : i32
    %broadcast_in_dim3A_309 = vector.broadcast %broadcast_in_dim3A_308 : i32 to vector<16xi32>
    %broadcast_in_dim3A_310 = arith.constant 11 : i32
    %broadcast_in_dim3A_311 = vector.broadcast %broadcast_in_dim3A_310 : i32 to vector<16xi32>
    %broadcast_in_dim3A_312 = arith.constant 0.000000e+00 : f32
    %broadcast_in_dim3A_313 = vector.broadcast %broadcast_in_dim3A_312 : f32 to vector<16xf32>
    %scan3A = arith.constant 0 : i32
    %scan3A_314 = arith.constant 128 : i32
    %scan3A_315 = arith.addi %scan3A, %scan3A_314 : i32
    %scan3A_316 = arith.constant 1 : i32
    %scan3A_317:6 = scf.for %scan3A_426 = %scan3A to %scan3A_315 step %scan3A_316 iter_args(%scan3A_427 = %broadcast_in_dim3A_313, %scan3A_428 = %broadcast_in_dim3A_313, %scan3A_429 = %broadcast_in_dim3A_313, %scan3A_430 = %broadcast_in_dim3A_313, %scan3A_431 = %broadcast_in_dim3A_313, %scan3A_432 = %broadcast_in_dim3A_313) -> (vector<16xf32>, vector<16xf32>, vector<16xf32>, vector<16xf32>, vector<16xf32>, vector<16xf32>)  : i32 {
      %mul3A_433 = arith.constant 16 : i32
      %mul3A_434 = arith.muli %scan3A_426, %mul3A_433 : i32
      %add3A_435 = vector.broadcast %mul3A_434 : i32 to vector<16xi32>
      %add3A_436 = arith.addi %iota3A, %add3A_435 : vector<16xi32>
      %mul3A_437 = arith.constant 16 : i32
      %mul3A_438 = arith.muli %scan3A_426, %mul3A_437 : i32
      %add3A_439 = arith.constant 0 : i32
      %add3A_440 = arith.addi %add3A_439, %mul3A_438 : i32
      %get3A = arith.index_cast %add3A_440 : i32 to index
      %get3A_441 = tpu.vector_load %arg12[%get3A] {strides = array<i32>} : memref<8192xf32, #tpu.memory_space<vmem>>, vector<16xf32>,
      %ge3A = arith.constant 2.000000e+00 : f32
      %ge3A_442 = vector.broadcast %ge3A : f32 to vector<16xf32>
      %ge3A_443 = arith.cmpf oge, %get3A_441, %ge3A_442 : vector<16xf32>
      %jit3A = arith.constant 2.000000e+00 : f32
      %jit3A_444 = arith.constant 0.000000e+00 : f32
      %broadcast_in_dim3A_445 = vector.broadcast %jit3A : f32 to vector<16xf32>
      %broadcast_in_dim3A_446 = vector.broadcast %jit3A_444 : f32 to vector<16xf32>
      %select_n3A = arith.select %ge3A_443, %broadcast_in_dim3A_445, %broadcast_in_dim3A_446 : vector<16xi1>, vector<16xf32>
      %sub3A = arith.subf %get3A_441, %select_n3A : vector<16xf32>
      %ge3A_447 = arith.constant 3.000000e+00 : f32
      %ge3A_448 = vector.broadcast %ge3A_447 : f32 to vector<16xf32>
      %ge3A_449 = arith.cmpf oge, %get3A_441, %ge3A_448 : vector<16xf32>
      %jit3A_450 = arith.constant 1.000000e+00 : f32
      %jit3A_451 = arith.constant 0.000000e+00 : f32
      %broadcast_in_dim3A_452 = vector.broadcast %jit3A_450 : f32 to vector<16xf32>
      %broadcast_in_dim3A_453 = vector.broadcast %jit3A_451 : f32 to vector<16xf32>
      %select_n3A_454 = arith.select %ge3A_449, %broadcast_in_dim3A_452, %broadcast_in_dim3A_453 : vector<16xi1>, vector<16xf32>
      %gather3A = tpu.vector_load_idx %arg11[%broadcast_in_dim3A_289, %add3A_436] : memref<16x2048xf32, #tpu.memory_space<vmem>>[vector<16xi32>, vector<16xi32>], vector<16xf32>,
      %gather3A_455 = tpu.vector_load_idx %arg11[%broadcast_in_dim3A_295, %add3A_436] : memref<16x2048xf32, #tpu.memory_space<vmem>>[vector<16xi32>, vector<16xi32>], vector<16xf32>,
      %sub3A_456 = arith.subf %gather3A, %gather3A_455 : vector<16xf32>
      %abs3A = math.absf %sub3A_456 : vector<16xf32>
      %gather3A_457 = tpu.vector_load_idx %arg11[%broadcast_in_dim3A_291, %add3A_436] : memref<16x2048xf32, #tpu.memory_space<vmem>>[vector<16xi32>, vector<16xi32>], vector<16xf32>,
      %gather3A_458 = tpu.vector_load_idx %arg11[%broadcast_in_dim3A_297, %add3A_436] : memref<16x2048xf32, #tpu.memory_space<vmem>>[vector<16xi32>, vector<16xi32>], vector<16xf32>,
      %sub3A_459 = arith.subf %gather3A_457, %gather3A_458 : vector<16xf32>
      %abs3A_460 = math.absf %sub3A_459 : vector<16xf32>
      %add3A_461 = arith.addf %abs3A, %abs3A_460 : vector<16xf32>
      %gather3A_462 = tpu.vector_load_idx %arg11[%broadcast_in_dim3A_293, %add3A_436] : memref<16x2048xf32, #tpu.memory_space<vmem>>[vector<16xi32>, vector<16xi32>], vector<16xf32>,
      %gather3A_463 = tpu.vector_load_idx %arg11[%broadcast_in_dim3A_299, %add3A_436] : memref<16x2048xf32, #tpu.memory_space<vmem>>[vector<16xi32>, vector<16xi32>], vector<16xf32>,
      %sub3A_464 = arith.subf %gather3A_462, %gather3A_463 : vector<16xf32>
      %abs3A_465 = math.absf %sub3A_464 : vector<16xf32>
      %add3A_466 = arith.addf %add3A_461, %abs3A_465 : vector<16xf32>
      %mul3A_467 = arith.mulf %add3A_466, %select_n3A_454 : vector<16xf32>
      %add3A_468 = arith.addf %scan3A_427, %mul3A_467 : vector<16xf32>
      %mul3A_469 = arith.constant 16 : i32
      %mul3A_470 = arith.muli %scan3A_426, %mul3A_469 : i32
      %add3A_471 = arith.constant 2048 : i32
      %add3A_472 = arith.addi %add3A_471, %mul3A_470 : i32
      %get3A_473 = arith.index_cast %add3A_472 : i32 to index
      %get3A_474 = tpu.vector_load %arg12[%get3A_473] {strides = array<i32>} : memref<8192xf32, #tpu.memory_space<vmem>>, vector<16xf32>,
      %mul3A_475 = arith.constant -5.000000e+01 : f32
      %mul3A_476 = vector.broadcast %mul3A_475 : f32 to vector<16xf32>
      %mul3A_477 = arith.mulf %mul3A_476, %get3A_474 : vector<16xf32>
      %max3A = arith.constant 0.000000e+00 : f32
      %max3A_478 = vector.broadcast %max3A : f32 to vector<16xf32>
      %max3A_479 = arith.maximumf %mul3A_477, %max3A_478 : vector<16xf32>
      %mul3A_480 = arith.mulf %mul3A_477, %sub3A : vector<16xf32>
      %sub3A_481 = arith.subf %max3A_479, %mul3A_480 : vector<16xf32>
      %abs3A_482 = math.absf %mul3A_477 : vector<16xf32>
      %neg3A = arith.constant 0.000000e+00 : f32
      %neg3A_483 = vector.broadcast %neg3A : f32 to vector<16xf32>
      %neg3A_484 = arith.subf %neg3A_483, %abs3A_482 : vector<16xf32>
      %exp3A = math.exp %neg3A_484 : vector<16xf32>
      %add3A_485 = arith.constant 2.000000e+00 : f32
      %add3A_486 = vector.broadcast %add3A_485 : f32 to vector<16xf32>
      %add3A_487 = arith.addf %add3A_486, %exp3A : vector<16xf32>
      %div3A = arith.divf %exp3A, %add3A_487 : vector<16xf32>
      %mul3A_488 = arith.mulf %div3A, %div3A : vector<16xf32>
      %mul3A_489 = arith.constant 2.000000e+00 : f32
      %mul3A_490 = vector.broadcast %mul3A_489 : f32 to vector<16xf32>
      %mul3A_491 = arith.mulf %mul3A_490, %div3A : vector<16xf32>
      %mul3A_492 = arith.constant 0.111111112 : f32
      %mul3A_493 = vector.broadcast %mul3A_492 : f32 to vector<16xf32>
      %mul3A_494 = arith.mulf %mul3A_488, %mul3A_493 : vector<16xf32>
      %add3A_495 = arith.constant 0.142857149 : f32
      %add3A_496 = vector.broadcast %add3A_495 : f32 to vector<16xf32>
      %add3A_497 = arith.addf %add3A_496, %mul3A_494 : vector<16xf32>
      %mul3A_498 = arith.mulf %mul3A_488, %add3A_497 : vector<16xf32>
      %add3A_499 = arith.constant 2.000000e-01 : f32
      %add3A_500 = vector.broadcast %add3A_499 : f32 to vector<16xf32>
      %add3A_501 = arith.addf %add3A_500, %mul3A_498 : vector<16xf32>
      %mul3A_502 = arith.mulf %mul3A_488, %add3A_501 : vector<16xf32>
      %add3A_503 = arith.constant 0.333333343 : f32
      %add3A_504 = vector.broadcast %add3A_503 : f32 to vector<16xf32>
      %add3A_505 = arith.addf %add3A_504, %mul3A_502 : vector<16xf32>
      %mul3A_506 = arith.mulf %mul3A_488, %add3A_505 : vector<16xf32>
      %add3A_507 = arith.constant 1.000000e+00 : f32
      %add3A_508 = vector.broadcast %add3A_507 : f32 to vector<16xf32>
      %add3A_509 = arith.addf %add3A_508, %mul3A_506 : vector<16xf32>
      %mul3A_510 = arith.mulf %mul3A_491, %add3A_509 : vector<16xf32>
      %add3A_511 = arith.addf %sub3A_481, %mul3A_510 : vector<16xf32>
      %sub3A_512 = arith.constant 1.000000e+00 : f32
      %sub3A_513 = vector.broadcast %sub3A_512 : f32 to vector<16xf32>
      %sub3A_514 = arith.subf %sub3A_513, %select_n3A_454 : vector<16xf32>
      %mul3A_515 = arith.mulf %add3A_511, %sub3A_514 : vector<16xf32>
      %add3A_516 = arith.addf %scan3A_428, %mul3A_515 : vector<16xf32>
      %gather3A_517 = tpu.vector_load_idx %arg11[%broadcast_in_dim3A_301, %add3A_436] : memref<16x2048xf32, #tpu.memory_space<vmem>>[vector<16xi32>, vector<16xi32>], vector<16xf32>,
      %gather3A_518 = tpu.vector_load_idx %arg11[%broadcast_in_dim3A_303, %add3A_436] : memref<16x2048xf32, #tpu.memory_space<vmem>>[vector<16xi32>, vector<16xi32>], vector<16xf32>,
      %gather3A_519 = tpu.vector_load_idx %arg11[%broadcast_in_dim3A_305, %add3A_436] : memref<16x2048xf32, #tpu.memory_space<vmem>>[vector<16xi32>, vector<16xi32>], vector<16xf32>,
      %mul3A_520 = arith.mulf %gather3A_517, %gather3A_517 : vector<16xf32>
      %mul3A_521 = arith.mulf %gather3A_518, %gather3A_518 : vector<16xf32>
      %add3A_522 = arith.addf %mul3A_520, %mul3A_521 : vector<16xf32>
      %mul3A_523 = arith.mulf %gather3A_519, %gather3A_519 : vector<16xf32>
      %add3A_524 = arith.addf %add3A_522, %mul3A_523 : vector<16xf32>
      %max3A_525 = arith.constant 1.000000e-30 : f32
      %max3A_526 = vector.broadcast %max3A_525 : f32 to vector<16xf32>
      %max3A_527 = arith.maximumf %add3A_524, %max3A_526 : vector<16xf32>
      %bitcast3A = vector.bitcast %max3A_527 : vector<16xf32> to vector<16xi32>
      %shift_right_arithmetic3A = arith.constant 1 : i32
      %shift_right_arithmetic3A_528 = vector.broadcast %shift_right_arithmetic3A : i32 to vector<16xi32>
      %shift_right_arithmetic3A_529 = arith.shrsi %bitcast3A, %shift_right_arithmetic3A_528 : vector<16xi32>
      %sub3A_530 = arith.constant 1597463007 : i32
      %sub3A_531 = vector.broadcast %sub3A_530 : i32 to vector<16xi32>
      %sub3A_532 = arith.subi %sub3A_531, %shift_right_arithmetic3A_529 : vector<16xi32>
      %bitcast3A_533 = vector.bitcast %sub3A_532 : vector<16xi32> to vector<16xf32>
      %mul3A_534 = arith.constant 5.000000e-01 : f32
      %mul3A_535 = vector.broadcast %mul3A_534 : f32 to vector<16xf32>
      %mul3A_536 = arith.mulf %mul3A_535, %max3A_527 : vector<16xf32>
      %mul3A_537 = arith.mulf %mul3A_536, %bitcast3A_533 : vector<16xf32>
      %mul3A_538 = arith.mulf %mul3A_537, %bitcast3A_533 : vector<16xf32>
      %sub3A_539 = arith.constant 1.500000e+00 : f32
      %sub3A_540 = vector.broadcast %sub3A_539 : f32 to vector<16xf32>
      %sub3A_541 = arith.subf %sub3A_540, %mul3A_538 : vector<16xf32>
      %mul3A_542 = arith.mulf %bitcast3A_533, %sub3A_541 : vector<16xf32>
      %mul3A_543 = arith.constant 5.000000e-01 : f32
      %mul3A_544 = vector.broadcast %mul3A_543 : f32 to vector<16xf32>
      %mul3A_545 = arith.mulf %mul3A_544, %max3A_527 : vector<16xf32>
      %mul3A_546 = arith.mulf %mul3A_545, %mul3A_542 : vector<16xf32>
      %mul3A_547 = arith.mulf %mul3A_546, %mul3A_542 : vector<16xf32>
      %sub3A_548 = arith.constant 1.500000e+00 : f32
      %sub3A_549 = vector.broadcast %sub3A_548 : f32 to vector<16xf32>
      %sub3A_550 = arith.subf %sub3A_549, %mul3A_547 : vector<16xf32>
      %mul3A_551 = arith.mulf %mul3A_542, %sub3A_550 : vector<16xf32>
      %mul3A_552 = arith.constant 5.000000e-01 : f32
      %mul3A_553 = vector.broadcast %mul3A_552 : f32 to vector<16xf32>
      %mul3A_554 = arith.mulf %mul3A_553, %max3A_527 : vector<16xf32>
      %mul3A_555 = arith.mulf %mul3A_554, %mul3A_551 : vector<16xf32>
      %mul3A_556 = arith.mulf %mul3A_555, %mul3A_551 : vector<16xf32>
      %sub3A_557 = arith.constant 1.500000e+00 : f32
      %sub3A_558 = vector.broadcast %sub3A_557 : f32 to vector<16xf32>
      %sub3A_559 = arith.subf %sub3A_558, %mul3A_556 : vector<16xf32>
      %mul3A_560 = arith.mulf %mul3A_551, %sub3A_559 : vector<16xf32>
      %mul3A_561 = arith.mulf %add3A_524, %mul3A_560 : vector<16xf32>
      %sub3A_562 = arith.constant 1.000000e+00 : f32
      %sub3A_563 = vector.broadcast %sub3A_562 : f32 to vector<16xf32>
      %sub3A_564 = arith.subf %mul3A_561, %sub3A_563 : vector<16xf32>
      %mul3A_565 = arith.mulf %sub3A_564, %sub3A_564 : vector<16xf32>
      %add3A_566 = arith.addf %scan3A_429, %mul3A_565 : vector<16xf32>
      %mul3A_567 = arith.constant 16 : i32
      %mul3A_568 = arith.muli %scan3A_426, %mul3A_567 : i32
      %add3A_569 = arith.constant 4096 : i32
      %add3A_570 = arith.addi %add3A_569, %mul3A_568 : i32
      %get3A_571 = arith.index_cast %add3A_570 : i32 to index
      %get3A_572 = tpu.vector_load %arg12[%get3A_571] {strides = array<i32>} : memref<8192xf32, #tpu.memory_space<vmem>>, vector<16xf32>,
      %mul3A_573 = arith.constant 16 : i32
      %mul3A_574 = arith.muli %scan3A_426, %mul3A_573 : i32
      %add3A_575 = arith.constant 6144 : i32
      %add3A_576 = arith.addi %add3A_575, %mul3A_574 : i32
      %get3A_577 = arith.index_cast %add3A_576 : i32 to index
      %get3A_578 = tpu.vector_load %arg12[%get3A_577] {strides = array<i32>} : memref<8192xf32, #tpu.memory_space<vmem>>, vector<16xf32>,
      %lt3A = arith.constant 0.000000e+00 : f32
      %lt3A_579 = vector.broadcast %lt3A : f32 to vector<16xf32>
      %lt3A_580 = arith.cmpf olt, %get3A_572, %lt3A_579 : vector<16xf32>
      %lt3A_581 = arith.constant 0.000000e+00 : f32
      %lt3A_582 = vector.broadcast %lt3A_581 : f32 to vector<16xf32>
      %lt3A_583 = arith.cmpf olt, %get3A_578, %lt3A_582 : vector<16xf32>
      %and3A = arith.andi %lt3A_580, %lt3A_583 : vector<16xi1>
      %jit3A_584 = arith.constant 1.000000e+00 : f32
      %jit3A_585 = arith.constant 0.000000e+00 : f32
      %broadcast_in_dim3A_586 = vector.broadcast %jit3A_584 : f32 to vector<16xf32>
      %broadcast_in_dim3A_587 = vector.broadcast %jit3A_585 : f32 to vector<16xf32>
      %select_n3A_588 = arith.select %and3A, %broadcast_in_dim3A_586, %broadcast_in_dim3A_587 : vector<16xi1>, vector<16xf32>
      %neg3A_589 = arith.constant 0.000000e+00 : f32
      %neg3A_590 = vector.broadcast %neg3A_589 : f32 to vector<16xf32>
      %neg3A_591 = arith.subf %neg3A_590, %get3A_572 : vector<16xf32>
      %max3A_592 = arith.constant 0.000000e+00 : f32
      %max3A_593 = vector.broadcast %max3A_592 : f32 to vector<16xf32>
      %max3A_594 = arith.maximumf %neg3A_591, %max3A_593 : vector<16xf32>
      %mul3A_595 = arith.mulf %max3A_594, %select_n3A_588 : vector<16xf32>
      %add3A_596 = arith.addf %scan3A_430, %mul3A_595 : vector<16xf32>
      %add3A_597 = arith.addf %scan3A_431, %select_n3A_588 : vector<16xf32>
      %gather3A_598 = tpu.vector_load_idx %arg11[%broadcast_in_dim3A_307, %add3A_436] : memref<16x2048xf32, #tpu.memory_space<vmem>>[vector<16xi32>, vector<16xi32>], vector<16xf32>,
      %gather3A_599 = tpu.vector_load_idx %arg11[%broadcast_in_dim3A_309, %add3A_436] : memref<16x2048xf32, #tpu.memory_space<vmem>>[vector<16xi32>, vector<16xi32>], vector<16xf32>,
      %gather3A_600 = tpu.vector_load_idx %arg11[%broadcast_in_dim3A_311, %add3A_436] : memref<16x2048xf32, #tpu.memory_space<vmem>>[vector<16xi32>, vector<16xi32>], vector<16xf32>,
      %mul3A_601 = arith.mulf %gather3A_598, %gather3A_598 : vector<16xf32>
      %mul3A_602 = arith.mulf %gather3A_599, %gather3A_599 : vector<16xf32>
      %add3A_603 = arith.addf %mul3A_601, %mul3A_602 : vector<16xf32>
      %mul3A_604 = arith.mulf %gather3A_600, %gather3A_600 : vector<16xf32>
      %add3A_605 = arith.addf %add3A_603, %mul3A_604 : vector<16xf32>
      %sub3A_606 = arith.constant 1.000000e+00 : f32
      %sub3A_607 = vector.broadcast %sub3A_606 : f32 to vector<16xf32>
      %sub3A_608 = arith.subf %sub3A_607, %select_n3A_588 : vector<16xf32>
      %mul3A_609 = arith.mulf %add3A_605, %sub3A_608 : vector<16xf32>
      %add3A_610 = arith.addf %scan3A_432, %mul3A_609 : vector<16xf32>
      scf.yield %add3A_468, %add3A_516, %add3A_566, %add3A_596, %add3A_597, %add3A_610 : vector<16xf32>, vector<16xf32>, vector<16xf32>, vector<16xf32>, vector<16xf32>, vector<16xf32>
    }
    %scan3A_318 = arith.constant 128 : i32
    %swap3A = arith.constant 0 : index
    %swap3A_319 = tpu.vector_load %arg13[%swap3A] {strides = array<i32>} : memref<96xf32, #tpu.memory_space<vmem>>, vector<16xf32>,
    tpu.vector_store %arg13[%swap3A], %scan3A_317#0 {strides = array<i32>} : memref<96xf32, #tpu.memory_space<vmem>>, vector<16xf32>,
    %swap3A_320 = arith.constant 16 : index
    %swap3A_321 = tpu.vector_load %arg13[%swap3A_320] {strides = array<i32>} : memref<96xf32, #tpu.memory_space<vmem>>, vector<16xf32>,
    tpu.vector_store %arg13[%swap3A_320], %scan3A_317#1 {strides = array<i32>} : memref<96xf32, #tpu.memory_space<vmem>>, vector<16xf32>,
    %swap3A_322 = arith.constant 32 : index
    %swap3A_323 = tpu.vector_load %arg13[%swap3A_322] {strides = array<i32>} : memref<96xf32, #tpu.memory_space<vmem>>, vector<16xf32>,
    tpu.vector_store %arg13[%swap3A_322], %scan3A_317#2 {strides = array<i32>} : memref<96xf32, #tpu.memory_space<vmem>>, vector<16xf32>,
    %swap3A_324 = arith.constant 48 : index
    %swap3A_325 = tpu.vector_load %arg13[%swap3A_324] {strides = array<i32>} : memref<96xf32, #tpu.memory_space<vmem>>, vector<16xf32>,
    tpu.vector_store %arg13[%swap3A_324], %scan3A_317#3 {strides = array<i32>} : memref<96xf32, #tpu.memory_space<vmem>>, vector<16xf32>,
    %swap3A_326 = arith.constant 64 : index
    %swap3A_327 = tpu.vector_load %arg13[%swap3A_326] {strides = array<i32>} : memref<96xf32, #tpu.memory_space<vmem>>, vector<16xf32>,
    tpu.vector_store %arg13[%swap3A_326], %scan3A_317#4 {strides = array<i32>} : memref<96xf32, #tpu.memory_space<vmem>>, vector<16xf32>,
    %swap3A_328 = arith.constant 80 : index
    %swap3A_329 = tpu.vector_load %arg13[%swap3A_328] {strides = array<i32>} : memref<96xf32, #tpu.memory_space<vmem>>, vector<16xf32>,
    tpu.vector_store %arg13[%swap3A_328], %scan3A_317#5 {strides = array<i32>} : memref<96xf32, #tpu.memory_space<vmem>>, vector<16xf32>,
    %add3A_330 = arith.constant 0 : i32
    %add3A_331 = arith.addi %add3A_330, %add3A : i32
    %mul3A_332 = arith.constant 16 : i32
    %mul3A_333 = arith.muli %add3A_331, %mul3A_332 : i32
    %dma_start3A_334 = arith.constant 0 : i32
    %dma_start3A_335 = tpu.memref_slice %arg13[%dma_start3A_334] : memref<96xf32, #tpu.memory_space<vmem>> -> memref<16xf32, #tpu.memory_space<vmem>>
    %dma_start3A_336 = tpu.memref_slice %arg10[%mul3A_333] : memref<3072xf32, #tpu.memory_space<hbm>> -> memref<16xf32, #tpu.memory_space<hbm>>
    %dma_start3A_337 = tpu.memref_slice %arg10[%mul3A_333] : memref<3072xf32, #tpu.memory_space<hbm>> -> memref<16xf32, #tpu.memory_space<hbm>>
    %dma_start3A_338 = arith.constant 0 : i32
    %dma_start3A_339 = tpu.memref_slice %arg13[%dma_start3A_338] : memref<96xf32, #tpu.memory_space<vmem>> -> memref<16xf32, #tpu.memory_space<vmem>>
    tpu.enqueue_dma source(%dma_start3A_339 : memref<16xf32, #tpu.memory_space<vmem>>) target(%dma_start3A_337 : memref<16xf32, #tpu.memory_space<hbm>>) target_semaphore(%arg14 : memref<!tpu.dma_semaphore, #tpu.memory_space<semaphore_mem>>)
    %add3A_340 = arith.constant 32 : i32
    %add3A_341 = arith.addi %add3A_340, %add3A : i32
    %mul3A_342 = arith.constant 16 : i32
    %mul3A_343 = arith.muli %add3A_341, %mul3A_342 : i32
    %dma_start3A_344 = arith.constant 16 : i32
    %dma_start3A_345 = tpu.memref_slice %arg13[%dma_start3A_344] : memref<96xf32, #tpu.memory_space<vmem>> -> memref<16xf32, #tpu.memory_space<vmem>>
    %dma_start3A_346 = tpu.memref_slice %arg10[%mul3A_343] : memref<3072xf32, #tpu.memory_space<hbm>> -> memref<16xf32, #tpu.memory_space<hbm>>
    %dma_start3A_347 = tpu.memref_slice %arg10[%mul3A_343] : memref<3072xf32, #tpu.memory_space<hbm>> -> memref<16xf32, #tpu.memory_space<hbm>>
    %dma_start3A_348 = arith.constant 16 : i32
    %dma_start3A_349 = tpu.memref_slice %arg13[%dma_start3A_348] : memref<96xf32, #tpu.memory_space<vmem>> -> memref<16xf32, #tpu.memory_space<vmem>>
    tpu.enqueue_dma source(%dma_start3A_349 : memref<16xf32, #tpu.memory_space<vmem>>) target(%dma_start3A_347 : memref<16xf32, #tpu.memory_space<hbm>>) target_semaphore(%arg14 : memref<!tpu.dma_semaphore, #tpu.memory_space<semaphore_mem>>)
    %add3A_350 = arith.constant 64 : i32
    %add3A_351 = arith.addi %add3A_350, %add3A : i32
    %mul3A_352 = arith.constant 16 : i32
    %mul3A_353 = arith.muli %add3A_351, %mul3A_352 : i32
    %dma_start3A_354 = arith.constant 32 : i32
    %dma_start3A_355 = tpu.memref_slice %arg13[%dma_start3A_354] : memref<96xf32, #tpu.memory_space<vmem>> -> memref<16xf32, #tpu.memory_space<vmem>>
    %dma_start3A_356 = tpu.memref_slice %arg10[%mul3A_353] : memref<3072xf32, #tpu.memory_space<hbm>> -> memref<16xf32, #tpu.memory_space<hbm>>
    %dma_start3A_357 = tpu.memref_slice %arg10[%mul3A_353] : memref<3072xf32, #tpu.memory_space<hbm>> -> memref<16xf32, #tpu.memory_space<hbm>>
    %dma_start3A_358 = arith.constant 32 : i32
    %dma_start3A_359 = tpu.memref_slice %arg13[%dma_start3A_358] : memref<96xf32, #tpu.memory_space<vmem>> -> memref<16xf32, #tpu.memory_space<vmem>>
    tpu.enqueue_dma source(%dma_start3A_359 : memref<16xf32, #tpu.memory_space<vmem>>) target(%dma_start3A_357 : memref<16xf32, #tpu.memory_space<hbm>>) target_semaphore(%arg14 : memref<!tpu.dma_semaphore, #tpu.memory_space<semaphore_mem>>)
    %add3A_360 = arith.constant 96 : i32
    %add3A_361 = arith.addi %add3A_360, %add3A : i32
    %mul3A_362 = arith.constant 16 : i32
    %mul3A_363 = arith.muli %add3A_361, %mul3A_362 : i32
    %dma_start3A_364 = arith.constant 48 : i32
    %dma_start3A_365 = tpu.memref_slice %arg13[%dma_start3A_364] : memref<96xf32, #tpu.memory_space<vmem>> -> memref<16xf32, #tpu.memory_space<vmem>>
    %dma_start3A_366 = tpu.memref_slice %arg10[%mul3A_363] : memref<3072xf32, #tpu.memory_space<hbm>> -> memref<16xf32, #tpu.memory_space<hbm>>
    %dma_start3A_367 = tpu.memref_slice %arg10[%mul3A_363] : memref<3072xf32, #tpu.memory_space<hbm>> -> memref<16xf32, #tpu.memory_space<hbm>>
    %dma_start3A_368 = arith.constant 48 : i32
    %dma_start3A_369 = tpu.memref_slice %arg13[%dma_start3A_368] : memref<96xf32, #tpu.memory_space<vmem>> -> memref<16xf32, #tpu.memory_space<vmem>>
    tpu.enqueue_dma source(%dma_start3A_369 : memref<16xf32, #tpu.memory_space<vmem>>) target(%dma_start3A_367 : memref<16xf32, #tpu.memory_space<hbm>>) target_semaphore(%arg14 : memref<!tpu.dma_semaphore, #tpu.memory_space<semaphore_mem>>)
    %add3A_370 = arith.constant 128 : i32
    %add3A_371 = arith.addi %add3A_370, %add3A : i32
    %mul3A_372 = arith.constant 16 : i32
    %mul3A_373 = arith.muli %add3A_371, %mul3A_372 : i32
    %dma_start3A_374 = arith.constant 64 : i32
    %dma_start3A_375 = tpu.memref_slice %arg13[%dma_start3A_374] : memref<96xf32, #tpu.memory_space<vmem>> -> memref<16xf32, #tpu.memory_space<vmem>>
    %dma_start3A_376 = tpu.memref_slice %arg10[%mul3A_373] : memref<3072xf32, #tpu.memory_space<hbm>> -> memref<16xf32, #tpu.memory_space<hbm>>
    %dma_start3A_377 = tpu.memref_slice %arg10[%mul3A_373] : memref<3072xf32, #tpu.memory_space<hbm>> -> memref<16xf32, #tpu.memory_space<hbm>>
    %dma_start3A_378 = arith.constant 64 : i32
    %dma_start3A_379 = tpu.memref_slice %arg13[%dma_start3A_378] : memref<96xf32, #tpu.memory_space<vmem>> -> memref<16xf32, #tpu.memory_space<vmem>>
    tpu.enqueue_dma source(%dma_start3A_379 : memref<16xf32, #tpu.memory_space<vmem>>) target(%dma_start3A_377 : memref<16xf32, #tpu.memory_space<hbm>>) target_semaphore(%arg14 : memref<!tpu.dma_semaphore, #tpu.memory_space<semaphore_mem>>)
    %add3A_380 = arith.constant 160 : i32
    %add3A_381 = arith.addi %add3A_380, %add3A : i32
    %mul3A_382 = arith.constant 16 : i32
    %mul3A_383 = arith.muli %add3A_381, %mul3A_382 : i32
    %dma_start3A_384 = arith.constant 80 : i32
    %dma_start3A_385 = tpu.memref_slice %arg13[%dma_start3A_384] : memref<96xf32, #tpu.memory_space<vmem>> -> memref<16xf32, #tpu.memory_space<vmem>>
    %dma_start3A_386 = tpu.memref_slice %arg10[%mul3A_383] : memref<3072xf32, #tpu.memory_space<hbm>> -> memref<16xf32, #tpu.memory_space<hbm>>
    %dma_start3A_387 = tpu.memref_slice %arg10[%mul3A_383] : memref<3072xf32, #tpu.memory_space<hbm>> -> memref<16xf32, #tpu.memory_space<hbm>>
    %dma_start3A_388 = arith.constant 80 : i32
    %dma_start3A_389 = tpu.memref_slice %arg13[%dma_start3A_388] : memref<96xf32, #tpu.memory_space<vmem>> -> memref<16xf32, #tpu.memory_space<vmem>>
    tpu.enqueue_dma source(%dma_start3A_389 : memref<16xf32, #tpu.memory_space<vmem>>) target(%dma_start3A_387 : memref<16xf32, #tpu.memory_space<hbm>>) target_semaphore(%arg14 : memref<!tpu.dma_semaphore, #tpu.memory_space<semaphore_mem>>)
    %dma_wait3A_390 = arith.constant 0 : i32
    %dma_wait3A_391 = tpu.memref_slice %arg13[%dma_wait3A_390] : memref<96xf32, #tpu.memory_space<vmem>> -> memref<16xf32, #tpu.memory_space<vmem>>
    %dma_wait3A_392 = tpu.memref_slice %arg10[%mul3A_333] : memref<3072xf32, #tpu.memory_space<hbm>> -> memref<16xf32, #tpu.memory_space<hbm>>
    %dma_wait3A_393 = tpu.memref_slice %arg10[%mul3A_333] : memref<3072xf32, #tpu.memory_space<hbm>> -> memref<16xf32, #tpu.memory_space<hbm>>
    %dma_wait3A_394 = arith.constant 0 : i32
    %dma_wait3A_395 = tpu.memref_slice %arg13[%dma_wait3A_394] : memref<96xf32, #tpu.memory_space<vmem>> -> memref<16xf32, #tpu.memory_space<vmem>>
    tpu.wait_dma2 semaphore(%arg14 : memref<!tpu.dma_semaphore, #tpu.memory_space<semaphore_mem>>) src(%dma_wait3A_395 : memref<16xf32, #tpu.memory_space<vmem>>) dst(%dma_wait3A_393 : memref<16xf32, #tpu.memory_space<hbm>>)
    %dma_wait3A_396 = arith.constant 16 : i32
    %dma_wait3A_397 = tpu.memref_slice %arg13[%dma_wait3A_396] : memref<96xf32, #tpu.memory_space<vmem>> -> memref<16xf32, #tpu.memory_space<vmem>>
    %dma_wait3A_398 = tpu.memref_slice %arg10[%mul3A_343] : memref<3072xf32, #tpu.memory_space<hbm>> -> memref<16xf32, #tpu.memory_space<hbm>>
    %dma_wait3A_399 = tpu.memref_slice %arg10[%mul3A_343] : memref<3072xf32, #tpu.memory_space<hbm>> -> memref<16xf32, #tpu.memory_space<hbm>>
    %dma_wait3A_400 = arith.constant 16 : i32
    %dma_wait3A_401 = tpu.memref_slice %arg13[%dma_wait3A_400] : memref<96xf32, #tpu.memory_space<vmem>> -> memref<16xf32, #tpu.memory_space<vmem>>
    tpu.wait_dma2 semaphore(%arg14 : memref<!tpu.dma_semaphore, #tpu.memory_space<semaphore_mem>>) src(%dma_wait3A_401 : memref<16xf32, #tpu.memory_space<vmem>>) dst(%dma_wait3A_399 : memref<16xf32, #tpu.memory_space<hbm>>)
    %dma_wait3A_402 = arith.constant 32 : i32
    %dma_wait3A_403 = tpu.memref_slice %arg13[%dma_wait3A_402] : memref<96xf32, #tpu.memory_space<vmem>> -> memref<16xf32, #tpu.memory_space<vmem>>
    %dma_wait3A_404 = tpu.memref_slice %arg10[%mul3A_353] : memref<3072xf32, #tpu.memory_space<hbm>> -> memref<16xf32, #tpu.memory_space<hbm>>
    %dma_wait3A_405 = tpu.memref_slice %arg10[%mul3A_353] : memref<3072xf32, #tpu.memory_space<hbm>> -> memref<16xf32, #tpu.memory_space<hbm>>
    %dma_wait3A_406 = arith.constant 32 : i32
    %dma_wait3A_407 = tpu.memref_slice %arg13[%dma_wait3A_406] : memref<96xf32, #tpu.memory_space<vmem>> -> memref<16xf32, #tpu.memory_space<vmem>>
    tpu.wait_dma2 semaphore(%arg14 : memref<!tpu.dma_semaphore, #tpu.memory_space<semaphore_mem>>) src(%dma_wait3A_407 : memref<16xf32, #tpu.memory_space<vmem>>) dst(%dma_wait3A_405 : memref<16xf32, #tpu.memory_space<hbm>>)
    %dma_wait3A_408 = arith.constant 48 : i32
    %dma_wait3A_409 = tpu.memref_slice %arg13[%dma_wait3A_408] : memref<96xf32, #tpu.memory_space<vmem>> -> memref<16xf32, #tpu.memory_space<vmem>>
    %dma_wait3A_410 = tpu.memref_slice %arg10[%mul3A_363] : memref<3072xf32, #tpu.memory_space<hbm>> -> memref<16xf32, #tpu.memory_space<hbm>>
    %dma_wait3A_411 = tpu.memref_slice %arg10[%mul3A_363] : memref<3072xf32, #tpu.memory_space<hbm>> -> memref<16xf32, #tpu.memory_space<hbm>>
    %dma_wait3A_412 = arith.constant 48 : i32
    %dma_wait3A_413 = tpu.memref_slice %arg13[%dma_wait3A_412] : memref<96xf32, #tpu.memory_space<vmem>> -> memref<16xf32, #tpu.memory_space<vmem>>
    tpu.wait_dma2 semaphore(%arg14 : memref<!tpu.dma_semaphore, #tpu.memory_space<semaphore_mem>>) src(%dma_wait3A_413 : memref<16xf32, #tpu.memory_space<vmem>>) dst(%dma_wait3A_411 : memref<16xf32, #tpu.memory_space<hbm>>)
    %dma_wait3A_414 = arith.constant 64 : i32
    %dma_wait3A_415 = tpu.memref_slice %arg13[%dma_wait3A_414] : memref<96xf32, #tpu.memory_space<vmem>> -> memref<16xf32, #tpu.memory_space<vmem>>
    %dma_wait3A_416 = tpu.memref_slice %arg10[%mul3A_373] : memref<3072xf32, #tpu.memory_space<hbm>> -> memref<16xf32, #tpu.memory_space<hbm>>
    %dma_wait3A_417 = tpu.memref_slice %arg10[%mul3A_373] : memref<3072xf32, #tpu.memory_space<hbm>> -> memref<16xf32, #tpu.memory_space<hbm>>
    %dma_wait3A_418 = arith.constant 64 : i32
    %dma_wait3A_419 = tpu.memref_slice %arg13[%dma_wait3A_418] : memref<96xf32, #tpu.memory_space<vmem>> -> memref<16xf32, #tpu.memory_space<vmem>>
    tpu.wait_dma2 semaphore(%arg14 : memref<!tpu.dma_semaphore, #tpu.memory_space<semaphore_mem>>) src(%dma_wait3A_419 : memref<16xf32, #tpu.memory_space<vmem>>) dst(%dma_wait3A_417 : memref<16xf32, #tpu.memory_space<hbm>>)
    %dma_wait3A_420 = arith.constant 80 : i32
    %dma_wait3A_421 = tpu.memref_slice %arg13[%dma_wait3A_420] : memref<96xf32, #tpu.memory_space<vmem>> -> memref<16xf32, #tpu.memory_space<vmem>>
    %dma_wait3A_422 = tpu.memref_slice %arg10[%mul3A_383] : memref<3072xf32, #tpu.memory_space<hbm>> -> memref<16xf32, #tpu.memory_space<hbm>>
    %dma_wait3A_423 = tpu.memref_slice %arg10[%mul3A_383] : memref<3072xf32, #tpu.memory_space<hbm>> -> memref<16xf32, #tpu.memory_space<hbm>>
    %dma_wait3A_424 = arith.constant 80 : i32
    %dma_wait3A_425 = tpu.memref_slice %arg13[%dma_wait3A_424] : memref<96xf32, #tpu.memory_space<vmem>> -> memref<16xf32, #tpu.memory_space<vmem>>
    tpu.wait_dma2 semaphore(%arg14 : memref<!tpu.dma_semaphore, #tpu.memory_space<semaphore_mem>>) src(%dma_wait3A_425 : memref<16xf32, #tpu.memory_space<vmem>>) dst(%dma_wait3A_423 : memref<16xf32, #tpu.memory_space<hbm>>)
    return
  }
}

module attributes {stable_mosaic.version = 14 : i64} {
  func.func @_fin_body(%arg0: memref<24x128xf32, #tpu.memory_space<vmem>>, %arg1: memref<1x1xf32, #tpu.memory_space<smem>>) attributes {dimension_semantics = [], scalar_prefetch = 0 : i64, scratch_operands = 0 : i64, tpu.core_type = #tpu.core_type<tc>} {
    %get3A = arith.constant 0 : index
    %get3A_0 = arith.constant 0 : index
    %get3A_1 = vector.load %arg0[%get3A, %get3A_0] : memref<24x128xf32, #tpu.memory_space<vmem>>, vector<4x128xf32>
    %reduce_sum3A = vector.shape_cast %get3A_1 : vector<4x128xf32> to vector<1x4x128xf32>
    %reduce_sum3A_2 = arith.constant dense<0.000000e+00> : vector<1xf32>
    %reduce_sum3A_3 = vector.multi_reduction <add>, %reduce_sum3A, %reduce_sum3A_2 [1, 2] : vector<1x4x128xf32> to vector<1xf32>
    %reduce_sum3A_4 = vector.shape_cast %reduce_sum3A_3 : vector<1xf32> to vector<1x1x1xf32>
    %reduce_sum3A_5 = vector.extract %reduce_sum3A_4[0, 0, 0] : f32 from vector<1x1x1xf32>
    %get3A_6 = arith.constant 4 : index
    %get3A_7 = arith.constant 0 : index
    %get3A_8 = vector.load %arg0[%get3A_6, %get3A_7] : memref<24x128xf32, #tpu.memory_space<vmem>>, vector<4x128xf32>
    %reduce_sum3A_9 = vector.shape_cast %get3A_8 : vector<4x128xf32> to vector<1x4x128xf32>
    %reduce_sum3A_10 = arith.constant dense<0.000000e+00> : vector<1xf32>
    %reduce_sum3A_11 = vector.multi_reduction <add>, %reduce_sum3A_9, %reduce_sum3A_10 [1, 2] : vector<1x4x128xf32> to vector<1xf32>
    %reduce_sum3A_12 = vector.shape_cast %reduce_sum3A_11 : vector<1xf32> to vector<1x1x1xf32>
    %reduce_sum3A_13 = vector.extract %reduce_sum3A_12[0, 0, 0] : f32 from vector<1x1x1xf32>
    %get3A_14 = arith.constant 8 : index
    %get3A_15 = arith.constant 0 : index
    %get3A_16 = vector.load %arg0[%get3A_14, %get3A_15] : memref<24x128xf32, #tpu.memory_space<vmem>>, vector<4x128xf32>
    %reduce_sum3A_17 = vector.shape_cast %get3A_16 : vector<4x128xf32> to vector<1x4x128xf32>
    %reduce_sum3A_18 = arith.constant dense<0.000000e+00> : vector<1xf32>
    %reduce_sum3A_19 = vector.multi_reduction <add>, %reduce_sum3A_17, %reduce_sum3A_18 [1, 2] : vector<1x4x128xf32> to vector<1xf32>
    %reduce_sum3A_20 = vector.shape_cast %reduce_sum3A_19 : vector<1xf32> to vector<1x1x1xf32>
    %reduce_sum3A_21 = vector.extract %reduce_sum3A_20[0, 0, 0] : f32 from vector<1x1x1xf32>
    %get3A_22 = arith.constant 12 : index
    %get3A_23 = arith.constant 0 : index
    %get3A_24 = vector.load %arg0[%get3A_22, %get3A_23] : memref<24x128xf32, #tpu.memory_space<vmem>>, vector<4x128xf32>
    %reduce_sum3A_25 = vector.shape_cast %get3A_24 : vector<4x128xf32> to vector<1x4x128xf32>
    %reduce_sum3A_26 = arith.constant dense<0.000000e+00> : vector<1xf32>
    %reduce_sum3A_27 = vector.multi_reduction <add>, %reduce_sum3A_25, %reduce_sum3A_26 [1, 2] : vector<1x4x128xf32> to vector<1xf32>
    %reduce_sum3A_28 = vector.shape_cast %reduce_sum3A_27 : vector<1xf32> to vector<1x1x1xf32>
    %reduce_sum3A_29 = vector.extract %reduce_sum3A_28[0, 0, 0] : f32 from vector<1x1x1xf32>
    %get3A_30 = arith.constant 16 : index
    %get3A_31 = arith.constant 0 : index
    %get3A_32 = vector.load %arg0[%get3A_30, %get3A_31] : memref<24x128xf32, #tpu.memory_space<vmem>>, vector<4x128xf32>
    %reduce_sum3A_33 = vector.shape_cast %get3A_32 : vector<4x128xf32> to vector<1x4x128xf32>
    %reduce_sum3A_34 = arith.constant dense<0.000000e+00> : vector<1xf32>
    %reduce_sum3A_35 = vector.multi_reduction <add>, %reduce_sum3A_33, %reduce_sum3A_34 [1, 2] : vector<1x4x128xf32> to vector<1xf32>
    %reduce_sum3A_36 = vector.shape_cast %reduce_sum3A_35 : vector<1xf32> to vector<1x1x1xf32>
    %reduce_sum3A_37 = vector.extract %reduce_sum3A_36[0, 0, 0] : f32 from vector<1x1x1xf32>
    %get3A_38 = arith.constant 20 : index
    %get3A_39 = arith.constant 0 : index
    %get3A_40 = vector.load %arg0[%get3A_38, %get3A_39] : memref<24x128xf32, #tpu.memory_space<vmem>>, vector<4x128xf32>
    %reduce_sum3A_41 = vector.shape_cast %get3A_40 : vector<4x128xf32> to vector<1x4x128xf32>
    %reduce_sum3A_42 = arith.constant dense<0.000000e+00> : vector<1xf32>
    %reduce_sum3A_43 = vector.multi_reduction <add>, %reduce_sum3A_41, %reduce_sum3A_42 [1, 2] : vector<1x4x128xf32> to vector<1xf32>
    %reduce_sum3A_44 = vector.shape_cast %reduce_sum3A_43 : vector<1xf32> to vector<1x1x1xf32>
    %reduce_sum3A_45 = vector.extract %reduce_sum3A_44[0, 0, 0] : f32 from vector<1x1x1xf32>
    %div3A = arith.constant 6.553600e+04 : f32
    %div3A_46 = arith.divf %reduce_sum3A_5, %div3A : f32
    %mul3A = arith.constant 2.000000e-02 : f32
    %mul3A_47 = arith.mulf %mul3A, %reduce_sum3A_13 : f32
    %div3A_48 = arith.constant 6.553600e+04 : f32
    %div3A_49 = arith.divf %mul3A_47, %div3A_48 : f32
    %div3A_50 = arith.constant 6.553600e+04 : f32
    %div3A_51 = arith.divf %reduce_sum3A_21, %div3A_50 : f32
    %max3A = arith.constant 1.000000e+00 : f32
    %max3A_52 = arith.maximumf %reduce_sum3A_37, %max3A : f32
    %div3A_53 = arith.divf %reduce_sum3A_29, %max3A_52 : f32
    %sub3A = arith.constant 6.553600e+04 : f32
    %sub3A_54 = arith.subf %sub3A, %reduce_sum3A_37 : f32
    %mul3A_55 = arith.constant 3.000000e+00 : f32
    %mul3A_56 = arith.mulf %sub3A_54, %mul3A_55 : f32
    %max3A_57 = arith.constant 1.000000e+00 : f32
    %max3A_58 = arith.maximumf %mul3A_56, %max3A_57 : f32
    %div3A_59 = arith.divf %reduce_sum3A_45, %max3A_58 : f32
    %mul3A_60 = arith.constant 1.000000e+00 : f32
    %mul3A_61 = arith.mulf %mul3A_60, %div3A_46 : f32
    %mul3A_62 = arith.constant 2.000000e+00 : f32
    %mul3A_63 = arith.mulf %mul3A_62, %div3A_49 : f32
    %add3A = arith.addf %mul3A_61, %mul3A_63 : f32
    %mul3A_64 = arith.constant 1.000000e-01 : f32
    %mul3A_65 = arith.mulf %mul3A_64, %div3A_51 : f32
    %add3A_66 = arith.addf %add3A, %mul3A_65 : f32
    %mul3A_67 = arith.constant 1.000000e+00 : f32
    %mul3A_68 = arith.mulf %mul3A_67, %div3A_53 : f32
    %add3A_69 = arith.addf %add3A_66, %mul3A_68 : f32
    %mul3A_70 = arith.constant 1.000000e+00 : f32
    %mul3A_71 = arith.mulf %mul3A_70, %div3A_59 : f32
    %add3A_72 = arith.addf %add3A_69, %mul3A_71 : f32
    %swap3A = arith.constant 0 : index
    %swap3A_73 = arith.constant 0 : index
    %swap3A_74 = memref.load %arg1[%swap3A, %swap3A_73] : memref<1x1xf32, #tpu.memory_space<smem>>
    memref.store %add3A_72, %arg1[%swap3A, %swap3A_73] : memref<1x1xf32, #tpu.memory_space<smem>>
    return
  }
}

</mosaic_0001>

<sc_bundles>
// kernel: kernel.4.cloned.1.call-start
scs
__scs_entry_jumppad:
0x0: {  	(pc) =	sbr.rel $0x88, $3  }
0x1: {  	(tag) =	ssettag $0x0;
	lr =	simm.s32 $0x1  }
0x2: {  	[smem:$0x3F98] =	sst lr;
	_ =	strace $0xD0000000  }
0x3: {  	_ = 	snop  }
0x4: {  	_ = 	snop  }
0x5: {  	_ = 	snop  }
0x6: {  	_ = 	snop  }
0x7: {  	_ = 	snop  }
__scs_overlays_trampoline_lowered:
0x8: {  	[smem:$0x3FA7] =	sst s0  }
0x9: {  	[smem:$0x3FA8] =	sst s1  }
0xa: {  	[smem:$0x3FA9] =	sst s2  }
0xb: {  	[smem:$0x3FAA] =	sst s3  }
0xc: {  	[smem:$0x3FAB] =	sst s4  }
0xd: {  	[smem:$0x3FAC] =	sst s5  }
0xe: {  	[smem:$0x3FAD] =	sst s6  }
0xf: {  	[smem:$0x3FAE] =	sst s7  }
0x10: {  	[smem:$0x3FAF] =	sst s8  }
0x11: {  	[smem:$0x3FB0] =	sst s9;
	s0 =	simm.s32 @!p0 $0x0  }
0x12: {  	s1 =	sld [smem:$0x3F96];
	s0 =	simm.s32 @p0 $0x1  }
0x13: {  	[smem:$0x3FB1] =	sst s0;
	s0 =	simm.s32 @!p1 $0x0  }
0x14: {  	s2 =	sld [smem:$0x3F95];
	s0 =	simm.s32 @p1 $0x1  }
0x15: {  	[smem:$0x3FB2] =	sst s0;
	s0 =	simm.s32 @!p2 $0x0  }
0x16: {  	s3 =	sld [smem:$0x3FDB];
	s0 =	simm.s32 @p2 $0x1  }
0x17: {  	s4 =	simm.s32 $0x1BF5;
	[smem:$0x3FB4] =	sst s0  }
0x18: {  	s0 =	sld [smem:$0x3F97];
	_ =	swait.ge [sflag:s4], $0x0  }
0x19: {  	s7 =	sld [smem:$0x3F98]  }
0x1a: {  	s8 =	sadd.s32 $0xFFFFE003, lr  }
0x1b: {  	s9 =	sadd.s32 $0xFFFFFEF7, lr;
	s5 =	simm.s32 $0xFFFFFFFF;
	p2 =	slt.u32 s8, $0xFFFFF086  }
0x1c: {  	p1 =	slt.u32 s9, $0xF7A;
	s5 =	simm.s32 @!p2 $0x0  }
0x1d: {  	s5 =	simm.s32 @p1 $0x1;
	p0 =	seq.s32 s7, s2  }
0x1e: {  	s7 =	smul.u32 @!p0 $0xF7A, s2;
	p2 =	seq.s32 @!p0 s5, $0x0  }
0x1f: {  	s9 =	smul.u32 $0xF7A, s1;
	s8 =	simm.s32 @!p0 $0x1BF5;
	p2 =	por !p2, p0  }
0x20: {  	[sflag:s8] =	ssyncset.s32 @!p0 $0xFFFFF086;
	s6 =	sadd.s32 @!p0 s3, s7;
	s7 =	simm.s32 @!p0 $0x108  }
0x21: {  	s3 =	sadd.s32 s3, s9;
	s6 =	sadd.s32 @!p0 $0x88, s6;
	s7 =	simm.s32 @p2 $0x1082  }
0x22: {  	[simem:s7], [sflag:s8] =	dma.local @!p0 [hbm:s6], $0xF7A  }
0x23: {  	s9 =	sor.u32 $0xD0000000, s2;
	s6 =	simm.s32 $0x108;
	_ =	swait.ge @!p0 [sflag:s8], $0x0  }
0x24: {  	s3 =	sadd.s32 $0x88, s3;
	s6 =	simm.s32 @!p1 $0x1082;
	[sflag:s4] =	ssyncset.s32 $0xFFFFF086  }
0x25: {  	[simem:s6], [sflag:s4] =	dma.local [hbm:s3], $0xF7A  }
0x26: {  	[smem:$0x3F98] =	sst s1;
	(tag) =	ssettag s2;
	_ =	strace s9  }
0x27: {  	s1 =	sld [smem:$0x3FA8]  }
0x28: {  	s2 =	sld [smem:$0x3FA9]  }
0x29: {  	s4 =	sld [smem:$0x3FAB]  }
0x2a: {  	p0 =	seq.s32 s5, $0x0;
	s5 =	sld [smem:$0x3FAC]  }
0x2b: {  	s6 =	sld [smem:$0x3FAD]  }
0x2c: {  	s7 =	sld [smem:$0x3FAE]  }
0x2d: {  	s3 =	simm.s32 $0x108;
	s8 =	sld [smem:$0x3FAF]  }
0x2e: {  	s3 =	simm.s32 @!p0 $0x1082;
	s9 =	sld [smem:$0x3FB0]  }
0x2f: {  	lr =	sadd.s32 s0, s3;
	s0 =	sld [smem:$0x3FA7]  }
0x30: {  	s3 =	sld [smem:$0x3FAA]  }
0x31: {  	[smem:$0x3FB3] =	sst s10  }
0x32: {  	s10 =	sld [smem:$0x3FB1];
	_ =	sdelay $0x3  }
0x33: {  	p0 =	seq.s32 s10, $0x1;
	s10 =	sld [smem:$0x3FB3];
	_ =	sdelay $0x3  }
0x34: {  	[smem:$0x3FB3] =	sst s10  }
0x35: {  	s10 =	sld [smem:$0x3FB2];
	_ =	sdelay $0x3  }
0x36: {  	p1 =	seq.s32 s10, $0x1;
	s10 =	sld [smem:$0x3FB3];
	_ =	sdelay $0x3  }
0x37: {  	[smem:$0x3FB3] =	sst s10  }
0x38: {  	s10 =	sld [smem:$0x3FB4]  }
0x39: {  	_ = 	snop;
	(pc) =	sbr.ind lr, $3  }
0x3a: {  	_ = 	snop  }
0x3b: {  	_ = 	snop  }
0x3c: {  	p2 =	seq.s32 s10, $0x1;
	s10 =	sld [smem:$0x3FB3]  }
0x3d: {  	_ =	shalt  }
0x3e: {  	_ =	shalt  }
0x3f: {  	_ =	shalt  }
0x40: {  	_ =	shalt  }
0x41: {  	_ =	shalt  }
0x42: {  	_ =	shalt  }
0x43: {  	_ =	shalt  }
0x44: {  	_ =	shalt  }
0x45: {  	_ =	shalt  }
0x46: {  	_ =	shalt  }
0x47: {  	_ =	shalt  }
0x48: {  	_ =	shalt  }
0x49: {  	_ =	shalt  }
0x4a: {  	_ =	shalt  }
0x4b: {  	_ =	shalt  }
0x4c: {  	_ =	shalt  }
0x4d: {  	_ =	shalt  }
0x4e: {  	_ =	shalt  }
0x4f: {  	_ =	shalt  }
0x50: {  	_ =	shalt  }
0x51: {  	_ =	shalt  }
0x52: {  	_ =	shalt  }
0x53: {  	_ =	shalt  }
0x54: {  	_ =	shalt  }
0x55: {  	_ =	shalt  }
0x56: {  	_ =	shalt  }
0x57: {  	_ =	shalt  }
0x58: {  	_ =	shalt  }
0x59: {  	_ =	shalt  }
0x5a: {  	_ =	shalt  }
0x5b: {  	_ =	shalt  }
0x5c: {  	_ =	shalt  }
0x5d: {  	_ =	shalt  }
0x5e: {  	_ =	shalt  }
0x5f: {  	_ =	shalt  }
0x60: {  	_ =	shalt  }
0x61: {  	_ =	shalt  }
0x62: {  	_ =	shalt  }
0x63: {  	_ =	shalt  }
0x64: {  	_ =	shalt  }
0x65: {  	_ =	shalt  }
0x66: {  	_ =	shalt  }
0x67: {  	_ =	shalt  }
0x68: {  	_ =	shalt  }
0x69: {  	_ =	shalt  }
0x6a: {  	_ =	shalt  }
0x6b: {  	_ =	shalt  }
0x6c: {  	_ =	shalt  }
0x6d: {  	_ =	shalt  }
0x6e: {  	_ =	shalt  }
0x6f: {  	_ =	shalt  }
0x70: {  	_ =	shalt  }
0x71: {  	_ =	shalt  }
0x72: {  	_ =	shalt  }
0x73: {  	_ =	shalt  }
0x74: {  	_ =	shalt  }
0x75: {  	_ =	shalt  }
0x76: {  	_ =	shalt  }
0x77: {  	_ =	shalt  }
0x78: {  	_ =	shalt  }
0x79: {  	_ =	shalt  }
0x7a: {  	_ =	shalt  }
0x7b: {  	_ =	shalt  }
0x7c: {  	_ =	shalt  }
0x7d: {  	_ =	shalt  }
0x7e: {  	_ =	shalt  }
0x7f: {  	_ =	shalt  }
0x80: {  	_ =	shalt  }
0x81: {  	_ =	shalt  }
0x82: {  	_ =	shalt  }
0x83: {  	_ =	shalt  }
0x84: {  	_ =	shalt  }
0x85: {  	_ =	shalt  }
0x86: {  	_ =	shalt  }
0x87: {  	_ =	shalt  }
.Lfunc_end0:
.L_simem_size_0:
called_computation_lowered:
.L_overlay_start_0:
0x88: {  	s2 =	sld [smem:$0x3FD9]  }
0x89: {  	s3 =	sld [smem:$0x3FFE];
	_ =	sdelay $0x1  }
0x8a: {  	s1 =	srdreg.scid  }
0x8b: {  	s0 =	sand.u32 $0x1, s1  }
0x8c: {  	s17 =	sshll.u32 s0, $0xA;
	s2 =	sadd.s32 s3, s2  }
0x8d: {  	s2 =	sadd.s32 s2, s17  }
0x8e: {  	[smem:$0x3FBF] =	sst s2  }
0x8f: {  	_ = 	snop  }
0x90: {  	s2 =	sld [smem:$0x3FC9]  }
0x91: {  	s18 =	sld [smem:$0x3FC8]  }
0x92: {  	s4 =	sld [smem:$0x3FC5]  }
0x93: {  	s5 =	sld [smem:$0x3FC4]  }
0x94: {  	s6 =	sld [smem:$0x3FC3]  }
0x95: {  	s7 =	sld [smem:$0x3FC2]  }
0x96: {  	s8 =	sld [smem:$0x3FC1];
	(tm) =	ssettm $0x1  }
0x97: {  	s9 =	sld [smem:$0x3FFB];
	_ =	sdelay $0x3  }
0x98: {  	_ =	strace s9  }
0x99: {  	s9 =	sld [smem:$0x3FFC];
	_ =	sdelay $0x3  }
0x9a: {  	_ =	strace s9  }
0x9b: {  	s9 =	sld [smem:$0x3FFD];
	_ =	sdelay $0x3  }
0x9c: {  	_ =	strace s9  }
0x9d: {  	_ =	strace $0x8FFFFFFF  }
0x9e: {  	s19 =	sld [smem:$0x3FDB];
	_ =	sdelay $0x1  }
0x9f: {  	s10 =	simm.s32 $_scs_section_size  }
0xa0: {  	s11 =	simm.s32 $_size__tile_overlayer_lowered;
	s12 =	simm.s32 $_tile_overlayer_lowered  }
0xa1: {  	s22 =	simm.s32 $0x1BFF;
	s21 =	sshll.u32 s12, $0x1;
	s9 =	sadd.s32 s10, s19  }
0xa2: {  	s13 =	simm.s32 $0x0;
	s20 =	sshll.u32 s11, $0x1;
	s11 =	sadd.s32 s21, s9  }
0xa3: {  	[timem:s13], [sflag:s22] =	dma.local [hbm:s11], s20  }
0xa4: {  	_ =	swait.ge [sflag:s22], s20  }
0xa5: {  	s10 =	ssub.s32 $0x0, s20;
	[sflag:s22] =	ssyncset.done $0x0  }
0xa6: {  	[sflag:s22] =	ssyncadd.s32 s10;
	_ =	sdelay $0x1  }
0xa7: {  	s23 =	simm.s32 $0x1B8B  }
0xa8: {  	_ =	swait.ge [sflag:s23], $0x1  }
0xa9: {  	[sflag:s23] =	ssyncset.done $0x0  }
0xaa: {  	s25 =	simm.s32 $0x1B8E;
	s24 =	sld [smem:$0x3FFE];
	[sflag:s23] =	ssyncadd.s32 $0xFFFFFFFF  }
0xab: {  	s26 =	simm.s32 $execute0_lowered;
	[smem:$0x3FD2] =	sst s25  }
0xac: {  	s11 =	sshll.u32 s26, $0x1;
	_ =	strace $0x80000046;
	[dreg:$0x1] =	wrdreg $0xFFFFFFFF  }
0xad: {  	s28 =	simm.s32 $_size_execute0_lowered;
	s9 =	sadd.s32 s9, s11;
	[dreg:$0x0] =	wrdreg $0x0  }
0xae: {  	s11 =	sshll.u32 s28, $0x1;
	[dreg:$0x2] =	wrdreg s9  }
0xaf: {  	[dreg:$0x3] =	wrdreg s11  }
0xb0: {  	[dreg:$0x4] =	wrdreg $0xC0  }
0xb1: {  	_ =	task [dreg:s13], $0x5FFFF  }
0xb2: {  	[dreg:$0x1] =	wrdreg $0xFFFFFFFF  }
0xb3: {  	[dreg:$0x0] =	wrdreg $0x60  }
0xb4: {  	[dreg:$0x2] =	wrdreg s2  }
0xb5: {  	[dreg:$0x3] =	wrdreg s18  }
0xb6: {  	[dreg:$0x4] =	wrdreg s5  }
0xb7: {  	[dreg:$0x5] =	wrdreg s8  }
0xb8: {  	[dreg:$0x6] =	wrdreg s24  }
0xb9: {  	[dreg:$0x7] =	wrdreg s4  }
0xba: {  	[dreg:$0x8] =	wrdreg s6  }
0xbb: {  	[dreg:$0x9] =	wrdreg s7  }
0xbc: {  	[dreg:$0xa] =	wrdreg $0x9  }
0xbd: {  	_ =	task.clear_ibuf [dreg:s13], $0xBFFFF;
	_ =	strace $0x90000046  }
0xbe: {  	s29 =	simm.s32 $0x9;
	_ =	strace $0x80000048  }
0xbf: {  	_ =	swait.ge [sflag:s29], $0x1  }
0xc0: {  	[sflag:s29] =	ssyncadd.s32 $0xFFFFFFFF  }
0xc1: {  	_ =	strace $0x90000048  }
0xc2: {  	_ =	sfence  }
0xc3: {  	s30 =	sld [smem:$0x0];
	_ =	sdelay $0x2  }
0xc4: {  	s31 =	sshll.u32 s1, $0xD;
	s1 =	sshrl.u32 s1, $0x2  }
0xc5: {  	s3 =	sand.u32 $0x4000, s31;
	s1 =	sadd.s32 s1, s30  }
0xc6: {  	s0 =	sor.u32 s3, s0;
	s1 =	sshll.u32 s1, $0x11  }
0xc7: {  	s0 =	sor.u32 s1, s0  }
0xc8: {  	s0 =	sadd.s32 $0x8F2B, s0  }
0xc9: {  	[sflag:s0] =	ssyncadd.remote.s32 $0x1  }
0xca: {  	_ =	sfence.sel $0xFFFF  }
0xcb: {  	[dreg:$0x0] =	wrdreg $0xFFFFFFFF;
	(pc) =	sbr.abs _section_cstart, $3  }
0xcc: {  	[dreg:$0x1] =	wrdreg $0xFFFFFFFF  }
0xcd: {  	_ =	task.clear_ibuf [dreg:s13], $0x2FFFF;
	_ =	strace $0x9FFFFFFF  }
0xce: {  	(tm) =	ssettm $0x7FFFFFFF  }
0xcf: {  	_ =	shalt  }
tec
execute0_lowered:
.L_overlay_start_1:
0x0: {  	(tag) =	ssettag $0x1  }
0x1: {  	s0 =	rddreg [dreg:$0x0]  }
0x2: {  	s1 =	rddreg [dreg:$0x1]  }
0x3: {  	s11 =	rddreg [dreg:$0x2]  }
0x4: {  	s14 =	rddreg [dreg:$0x3]  }
0x5: {  	s3 =	rddreg [dreg:$0x4]  }
0x6: {  	s15 =	rddreg [dreg:$0x5]  }
0x7: {  	s16 =	rddreg [dreg:$0x6]  }
0x8: {  	s17 =	rddreg [dreg:$0x7]  }
0x9: {  	s4 =	srdreg.scid;
	s5 =	stileid.u32;
	s2 =	simm.s32 $0x0  }
0xa: {  	s4 =	sand.u32 $0x1, s4;
	s5 =	sshll.u32 s5, $0x1;
	[smem:$0x7FF] =	sst s2  }
0xb: {  	s5 =	sor.u32 s4, s5;
	_ =	strace $0x80000047;
	s4 =	ssub.s32 $0x2, s4  }
0xc: {  	s18 =	sshll.u32 s5, $0x8;
	s6 =	sshll.u32 s5, $0x1;
	s26 =	sshrl.u32 s4, $0x1  }
0xd: {  	s12 =	sshll.u32 s5, $0xA;
	s19 =	sadd.s32 s18, s3;
	s20 =	sadd.s32 s6, s3  }
0xe: {  	s21 =	ssub.s32 s4, s26;
	s13 =	sor.u32 $0x10, s12;
	s22 =	sor.u32 $0x20, s12  }
0xf: {  	s3 =	sadd.s32 s0, s12;
	s6 =	sadd.s32 s1, s12;
	s30 =	sadd.s32 s15, s18  }
0x10: {  	s9 =	sadd.s32 s11, s12;
	s31 =	sadd.s32 s16, s18;
	[dreg:$0xa] =	wrdreg s30  }
0x11: {  	s7 =	sadd.s32 s1, s13;
	s29 =	sadd.s32 $0x600, s19;
	[dreg:$0xb] =	wrdreg s31  }
0x12: {  	s8 =	sadd.s32 s1, s22;
	s1 =	sadd.s32 s17, s18;
	[dreg:$0x9] =	wrdreg s29  }
0x13: {  	s12 =	sadd.s32 s14, s12;
	s15 =	sadd.s32 $0x2600, s20;
	[dreg:$0xc] =	wrdreg s1  }
0x14: {  	s4 =	sadd.s32 s0, s13;
	s16 =	sadd.s32 $0x2640, s20;
	[dreg:$0xd] =	wrdreg s15  }
0x15: {  	s5 =	sadd.s32 s0, s22;
	s17 =	sadd.s32 $0x2680, s20;
	[dreg:$0xe] =	wrdreg s16  }
0x16: {  	s10 =	sadd.s32 s11, s13;
	s18 =	sadd.s32 $0x26C0, s20;
	[dreg:$0xf] =	wrdreg s17  }
0x17: {  	s11 =	sadd.s32 s11, s22;
	s19 =	sadd.s32 $0x2700, s20;
	[dreg:$0x10] =	wrdreg s18  }
0x18: {  	s13 =	sadd.s32 s14, s13;
	s20 =	sadd.s32 $0x2740, s20;
	[dreg:$0x11] =	wrdreg s19  }
0x19: {  	s14 =	sadd.s32 s14, s22;
	s22 =	smax.u32 s21, $0x1;
	[dreg:$0x12] =	wrdreg s20  }
0x1a: {  	s23 =	sadd.s32 $0x40, s3;
	[dreg:$0x13] =	wrdreg s22  }
0x1b: {  	s24 =	sadd.s32 $0x80, s3;
	[dreg:$0x14] =	wrdreg s23  }
0x1c: {  	s25 =	sadd.s32 $0xC0, s3;
	[dreg:$0x15] =	wrdreg s24  }
0x1d: {  	s26 =	sadd.s32 $0x100, s3;
	[dreg:$0x16] =	wrdreg s25  }
0x1e: {  	s30 =	sadd.s32 $0x180, s3;
	[dreg:$0x17] =	wrdreg s26  }
0x1f: {  	s31 =	sadd.s32 $0x1C0, s3;
	[dreg:$0x19] =	wrdreg s30  }
0x20: {  	s21 =	sadd.s32 $0x3C0, s3;
	[dreg:$0x1a] =	wrdreg s31  }
0x21: {  	s29 =	sadd.s32 $0x140, s3;
	[smem:$0x765] =	sst s21  }
0x22: {  	s1 =	sadd.s32 $0x200, s3;
	[dreg:$0x18] =	wrdreg s29  }
0x23: {  	s15 =	sadd.s32 $0x240, s3;
	[dreg:$0x1b] =	wrdreg s1  }
0x24: {  	s16 =	sadd.s32 $0x280, s3;
	[dreg:$0x1c] =	wrdreg s15  }
0x25: {  	s17 =	sadd.s32 $0x2C0, s3;
	[dreg:$0x1d] =	wrdreg s16  }
0x26: {  	s18 =	sadd.s32 $0x300, s3;
	[dreg:$0x1e] =	wrdreg s17  }
0x27: {  	s19 =	sadd.s32 $0x340, s3;
	[dreg:$0x1f] =	wrdreg s18  }
0x28: {  	s20 =	sadd.s32 $0x380, s3;
	[smem:$0x763] =	sst s19  }
0x29: {  	s22 =	sadd.s32 $0x40, s4;
	[smem:$0x764] =	sst s20  }
0x2a: {  	s23 =	sadd.s32 $0x80, s4;
	[smem:$0x766] =	sst s22  }
0x2b: {  	s24 =	sadd.s32 $0xC0, s4;
	[smem:$0x767] =	sst s23  }
0x2c: {  	s25 =	sadd.s32 $0x100, s4;
	[smem:$0x768] =	sst s24  }
0x2d: {  	s26 =	sadd.s32 $0x140, s4;
	[smem:$0x769] =	sst s25  }
0x2e: {  	s30 =	sadd.s32 $0x1C0, s4;
	[smem:$0x76A] =	sst s26  }
0x2f: {  	s31 =	sadd.s32 $0x200, s4;
	[smem:$0x76C] =	sst s30  }
0x30: {  	s21 =	sadd.s32 $0x40, s5;
	[smem:$0x76D] =	sst s31  }
0x31: {  	s29 =	sadd.s32 $0x180, s4;
	[smem:$0x775] =	sst s21  }
0x32: {  	s1 =	sadd.s32 $0x240, s4;
	[smem:$0x76B] =	sst s29  }
0x33: {  	s15 =	sadd.s32 $0x280, s4;
	[smem:$0x76E] =	sst s1  }
0x34: {  	s16 =	sadd.s32 $0x2C0, s4;
	[smem:$0x76F] =	sst s15  }
0x35: {  	s17 =	sadd.s32 $0x300, s4;
	[smem:$0x770] =	sst s16  }
0x36: {  	s18 =	sadd.s32 $0x340, s4;
	[smem:$0x771] =	sst s17  }
0x37: {  	s19 =	sadd.s32 $0x380, s4;
	[smem:$0x772] =	sst s18  }
0x38: {  	s20 =	sadd.s32 $0x3C0, s4;
	[smem:$0x773] =	sst s19  }
0x39: {  	s22 =	sadd.s32 $0x80, s5;
	[smem:$0x774] =	sst s20  }
0x3a: {  	s23 =	sadd.s32 $0xC0, s5;
	[smem:$0x776] =	sst s22  }
0x3b: {  	s24 =	sadd.s32 $0x100, s5;
	[smem:$0x777] =	sst s23  }
0x3c: {  	s25 =	sadd.s32 $0x140, s5;
	[smem:$0x778] =	sst s24  }
0x3d: {  	s26 =	sadd.s32 $0x180, s5;
	[smem:$0x779] =	sst s25  }
0x3e: {  	s30 =	sadd.s32 $0x200, s5;
	[smem:$0x77A] =	sst s26  }
0x3f: {  	s31 =	sadd.s32 $0x240, s5;
	[smem:$0x77C] =	sst s30  }
0x40: {  	s21 =	sadd.s32 $0x80, s6;
	[smem:$0x77D] =	sst s31  }
0x41: {  	s29 =	sadd.s32 $0x1C0, s5;
	[smem:$0x785] =	sst s21  }
0x42: {  	s1 =	sadd.s32 $0x280, s5;
	[smem:$0x77B] =	sst s29  }
0x43: {  	s15 =	sadd.s32 $0x2C0, s5;
	[smem:$0x77E] =	sst s1  }
0x44: {  	s16 =	sadd.s32 $0x300, s5;
	[smem:$0x77F] =	sst s15  }
0x45: {  	s17 =	sadd.s32 $0x340, s5;
	[smem:$0x780] =	sst s16  }
0x46: {  	s18 =	sadd.s32 $0x380, s5;
	[smem:$0x781] =	sst s17  }
0x47: {  	s19 =	sadd.s32 $0x3C0, s5;
	[smem:$0x782] =	sst s18  }
0x48: {  	s20 =	sadd.s32 $0x40, s6;
	[smem:$0x783] =	sst s19  }
0x49: {  	s22 =	sadd.s32 $0xC0, s6;
	[smem:$0x784] =	sst s20  }
0x4a: {  	s23 =	sadd.s32 $0x100, s6;
	[smem:$0x786] =	sst s22  }
0x4b: {  	s24 =	sadd.s32 $0x140, s6;
	[smem:$0x787] =	sst s23  }
0x4c: {  	s25 =	sadd.s32 $0x180, s6;
	[smem:$0x788] =	sst s24  }
0x4d: {  	s26 =	sadd.s32 $0x1C0, s6;
	[smem:$0x789] =	sst s25  }
0x4e: {  	s30 =	sadd.s32 $0x240, s6;
	[smem:$0x78A] =	sst s26  }
0x4f: {  	s31 =	sadd.s32 $0x280, s6;
	[smem:$0x78C] =	sst s30  }
0x50: {  	s21 =	sadd.s32 $0xC0, s7;
	[smem:$0x78D] =	sst s31  }
0x51: {  	s29 =	sadd.s32 $0x200, s6;
	[smem:$0x795] =	sst s21  }
0x52: {  	s1 =	sadd.s32 $0x2C0, s6;
	[smem:$0x78B] =	sst s29  }
0x53: {  	s15 =	sadd.s32 $0x300, s6;
	[smem:$0x78E] =	sst s1  }
0x54: {  	s16 =	sadd.s32 $0x340, s6;
	[smem:$0x78F] =	sst s15  }
0x55: {  	s17 =	sadd.s32 $0x380, s6;
	[smem:$0x790] =	sst s16  }
0x56: {  	s18 =	sadd.s32 $0x3C0, s6;
	[smem:$0x791] =	sst s17  }
0x57: {  	s19 =	sadd.s32 $0x40, s7;
	[smem:$0x792] =	sst s18  }
0x58: {  	s20 =	sadd.s32 $0x80, s7;
	[smem:$0x793] =	sst s19  }
0x59: {  	s22 =	sadd.s32 $0x100, s7;
	[smem:$0x794] =	sst s20  }
0x5a: {  	s23 =	sadd.s32 $0x140, s7;
	[smem:$0x796] =	sst s22  }
0x5b: {  	s24 =	sadd.s32 $0x180, s7;
	[smem:$0x797] =	sst s23  }
0x5c: {  	s25 =	sadd.s32 $0x1C0, s7;
	[smem:$0x798] =	sst s24  }
0x5d: {  	s26 =	sadd.s32 $0x200, s7;
	[smem:$0x799] =	sst s25  }
0x5e: {  	s30 =	sadd.s32 $0x280, s7;
	[smem:$0x79A] =	sst s26  }
0x5f: {  	s31 =	sadd.s32 $0x2C0, s7;
	[smem:$0x79C] =	sst s30  }
0x60: {  	s21 =	sadd.s32 $0x100, s8;
	[smem:$0x79D] =	sst s31  }
0x61: {  	s29 =	sadd.s32 $0x240, s7;
	[smem:$0x7A5] =	sst s21  }
0x62: {  	s1 =	sadd.s32 $0x300, s7;
	[smem:$0x79B] =	sst s29  }
0x63: {  	s15 =	sadd.s32 $0x340, s7;
	[smem:$0x79E] =	sst s1  }
0x64: {  	s16 =	sadd.s32 $0x380, s7;
	[smem:$0x79F] =	sst s15  }
0x65: {  	s17 =	sadd.s32 $0x3C0, s7;
	[smem:$0x7A0] =	sst s16  }
0x66: {  	s18 =	sadd.s32 $0x40, s8;
	[smem:$0x7A1] =	sst s17  }
0x67: {  	s19 =	sadd.s32 $0x80, s8;
	[smem:$0x7A2] =	sst s18  }
0x68: {  	s20 =	sadd.s32 $0xC0, s8;
	[smem:$0x7A3] =	sst s19  }
0x69: {  	s22 =	sadd.s32 $0x140, s8;
	[smem:$0x7A4] =	sst s20  }
0x6a: {  	s23 =	sadd.s32 $0x180, s8;
	[smem:$0x7A6] =	sst s22  }
0x6b: {  	s24 =	sadd.s32 $0x1C0, s8;
	[smem:$0x7A7] =	sst s23  }
0x6c: {  	s25 =	sadd.s32 $0x200, s8;
	[smem:$0x7A8] =	sst s24  }
0x6d: {  	s26 =	sadd.s32 $0x240, s8;
	[smem:$0x7A9] =	sst s25  }
0x6e: {  	s30 =	sadd.s32 $0x2C0, s8;
	[smem:$0x7AA] =	sst s26  }
0x6f: {  	s31 =	sadd.s32 $0x300, s8;
	[smem:$0x7AC] =	sst s30  }
0x70: {  	s21 =	sadd.s32 $0x140, s9;
	[smem:$0x7AD] =	sst s31  }
0x71: {  	s29 =	sadd.s32 $0x280, s8;
	[smem:$0x7B5] =	sst s21  }
0x72: {  	s1 =	sadd.s32 $0x340, s8;
	[smem:$0x7AB] =	sst s29  }
0x73: {  	s15 =	sadd.s32 $0x380, s8;
	[smem:$0x7AE] =	sst s1  }
0x74: {  	s16 =	sadd.s32 $0x3C0, s8;
	[smem:$0x7AF] =	sst s15  }
0x75: {  	s17 =	sadd.s32 $0x40, s9;
	[smem:$0x7B0] =	sst s16  }
0x76: {  	s18 =	sadd.s32 $0x80, s9;
	[smem:$0x7B1] =	sst s17  }
0x77: {  	s19 =	sadd.s32 $0xC0, s9;
	[smem:$0x7B2] =	sst s18  }
0x78: {  	s20 =	sadd.s32 $0x100, s9;
	[smem:$0x7B3] =	sst s19  }
0x79: {  	s22 =	sadd.s32 $0x180, s9;
	[smem:$0x7B4] =	sst s20  }
0x7a: {  	s23 =	sadd.s32 $0x1C0, s9;
	[smem:$0x7B6] =	sst s22  }
0x7b: {  	s24 =	sadd.s32 $0x200, s9;
	[smem:$0x7B7] =	sst s23  }
0x7c: {  	s25 =	sadd.s32 $0x240, s9;
	[smem:$0x7B8] =	sst s24  }
0x7d: {  	s26 =	sadd.s32 $0x280, s9;
	[smem:$0x7B9] =	sst s25  }
0x7e: {  	s30 =	sadd.s32 $0x300, s9;
	[smem:$0x7BA] =	sst s26  }
0x7f: {  	s31 =	sadd.s32 $0x340, s9;
	[smem:$0x7BC] =	sst s30  }
0x80: {  	s21 =	sadd.s32 $0x180, s10;
	[smem:$0x7BD] =	sst s31  }
0x81: {  	s29 =	sadd.s32 $0x2C0, s9;
	[smem:$0x7C5] =	sst s21  }
0x82: {  	s1 =	sadd.s32 $0x380, s9;
	[smem:$0x7BB] =	sst s29  }
0x83: {  	s15 =	sadd.s32 $0x3C0, s9;
	[smem:$0x7BE] =	sst s1  }
0x84: {  	s16 =	sadd.s32 $0x40, s10;
	[smem:$0x7BF] =	sst s15  }
0x85: {  	s17 =	sadd.s32 $0x80, s10;
	[smem:$0x7C0] =	sst s16  }
0x86: {  	s18 =	sadd.s32 $0xC0, s10;
	[smem:$0x7C1] =	sst s17  }
0x87: {  	s19 =	sadd.s32 $0x100, s10;
	[smem:$0x7C2] =	sst s18  }
0x88: {  	s20 =	sadd.s32 $0x140, s10;
	[smem:$0x7C3] =	sst s19  }
0x89: {  	s22 =	sadd.s32 $0x1C0, s10;
	[smem:$0x7C4] =	sst s20  }
0x8a: {  	s23 =	sadd.s32 $0x200, s10;
	[smem:$0x7C6] =	sst s22  }
0x8b: {  	s24 =	sadd.s32 $0x240, s10;
	[smem:$0x7C7] =	sst s23  }
0x8c: {  	s25 =	sadd.s32 $0x280, s10;
	[smem:$0x7C8] =	sst s24  }
0x8d: {  	s26 =	sadd.s32 $0x2C0, s10;
	[smem:$0x7C9] =	sst s25  }
0x8e: {  	s30 =	sadd.s32 $0x340, s10;
	[smem:$0x7CA] =	sst s26  }
0x8f: {  	s31 =	sadd.s32 $0x380, s10;
	[smem:$0x7CC] =	sst s30  }
0x90: {  	s21 =	sadd.s32 $0x1C0, s11;
	[smem:$0x7CD] =	sst s31  }
0x91: {  	s29 =	sadd.s32 $0x300, s10;
	[smem:$0x7D5] =	sst s21  }
0x92: {  	s1 =	sadd.s32 $0x3C0, s10;
	[smem:$0x7CB] =	sst s29  }
0x93: {  	s15 =	sadd.s32 $0x40, s11;
	[smem:$0x7CE] =	sst s1  }
0x94: {  	s16 =	sadd.s32 $0x80, s11;
	[smem:$0x7CF] =	sst s15  }
0x95: {  	s17 =	sadd.s32 $0xC0, s11;
	[smem:$0x7D0] =	sst s16  }
0x96: {  	s18 =	sadd.s32 $0x100, s11;
	[smem:$0x7D1] =	sst s17  }
0x97: {  	s19 =	sadd.s32 $0x140, s11;
	[smem:$0x7D2] =	sst s18  }
0x98: {  	s20 =	sadd.s32 $0x180, s11;
	[smem:$0x7D3] =	sst s19  }
0x99: {  	s22 =	sadd.s32 $0x200, s11;
	[smem:$0x7D4] =	sst s20  }
0x9a: {  	s23 =	sadd.s32 $0x240, s11;
	[smem:$0x7D6] =	sst s22  }
0x9b: {  	s24 =	sadd.s32 $0x280, s11;
	[smem:$0x7D7] =	sst s23  }
0x9c: {  	s25 =	sadd.s32 $0x2C0, s11;
	[smem:$0x7D8] =	sst s24  }
0x9d: {  	s26 =	sadd.s32 $0x300, s11;
	[smem:$0x7D9] =	sst s25  }
0x9e: {  	s30 =	sadd.s32 $0x380, s11;
	[smem:$0x7DA] =	sst s26  }
0x9f: {  	s31 =	sadd.s32 $0x3C0, s11;
	[smem:$0x7DC] =	sst s30  }
0xa0: {  	s21 =	sadd.s32 $0x200, s12;
	[smem:$0x7DD] =	sst s31  }
0xa1: {  	s29 =	sadd.s32 $0x340, s11;
	[smem:$0x7E5] =	sst s21  }
0xa2: {  	s1 =	sadd.s32 $0x40, s12;
	[smem:$0x7DB] =	sst s29  }
0xa3: {  	s15 =	sadd.s32 $0x80, s12;
	[smem:$0x7DE] =	sst s1  }
0xa4: {  	s16 =	sadd.s32 $0xC0, s12;
	[smem:$0x7DF] =	sst s15  }
0xa5: {  	s17 =	sadd.s32 $0x100, s12;
	[smem:$0x7E0] =	sst s16  }
0xa6: {  	s18 =	sadd.s32 $0x140, s12;
	[smem:$0x7E1] =	sst s17  }
0xa7: {  	s19 =	sadd.s32 $0x180, s12;
	[smem:$0x7E2] =	sst s18  }
0xa8: {  	s20 =	sadd.s32 $0x1C0, s12;
	[smem:$0x7E3] =	sst s19  }
0xa9: {  	s22 =	sadd.s32 $0x240, s12;
	[smem:$0x7E4] =	sst s20  }
0xaa: {  	s23 =	sadd.s32 $0x280, s12;
	[smem:$0x7E6] =	sst s22  }
0xab: {  	s24 =	sadd.s32 $0x2C0, s12;
	[smem:$0x7E7] =	sst s23  }
0xac: {  	s25 =	sadd.s32 $0x300, s12;
	[smem:$0x7E8] =	sst s24  }
0xad: {  	s26 =	sadd.s32 $0x340, s12;
	[smem:$0x7E9] =	sst s25  }
0xae: {  	s30 =	sadd.s32 $0x3C0, s12;
	[smem:$0x7EA] =	sst s26  }
0xaf: {  	s31 =	sadd.s32 $0x40, s13;
	[smem:$0x7EC] =	sst s30  }
0xb0: {  	s21 =	sadd.s32 $0x240, s13;
	[smem:$0x7ED] =	sst s31  }
0xb1: {  	s29 =	sadd.s32 $0x380, s12;
	[smem:$0x7F5] =	sst s21  }
0xb2: {  	s1 =	sadd.s32 $0x80, s13;
	[smem:$0x7EB] =	sst s29  }
0xb3: {  	s15 =	sadd.s32 $0xC0, s13;
	[smem:$0x7EE] =	sst s1  }
0xb4: {  	s16 =	sadd.s32 $0x100, s13;
	[smem:$0x7EF] =	sst s15  }
0xb5: {  	s17 =	sadd.s32 $0x140, s13;
	[smem:$0x7F0] =	sst s16  }
0xb6: {  	s18 =	sadd.s32 $0x180, s13;
	[smem:$0x7F1] =	sst s17  }
0xb7: {  	s19 =	sadd.s32 $0x1C0, s13;
	[smem:$0x7F2] =	sst s18  }
0xb8: {  	s20 =	sadd.s32 $0x200, s13;
	[smem:$0x7F3] =	sst s19  }
0xb9: {  	s22 =	sadd.s32 $0x280, s13;
	[smem:$0x7F4] =	sst s20  }
0xba: {  	s23 =	sadd.s32 $0x2C0, s13;
	[smem:$0x7F6] =	sst s22  }
0xbb: {  	s24 =	sadd.s32 $0x300, s13;
	[smem:$0x7F7] =	sst s23  }
0xbc: {  	s25 =	sadd.s32 $0x340, s13;
	[smem:$0x7F8] =	sst s24  }
0xbd: {  	s28 =	simm.s32 $0x0;
	s26 =	sadd.s32 $0x380, s13;
	[smem:$0x7F9] =	sst s25  }
0xbe: {  	s0 =	sadd.s32 $0xC0, s14;
	s30 =	sadd.s32 $0x40, s14;
	[smem:$0x7FA] =	sst s26  }
0xbf: {  	s31 =	sadd.s32 $0x80, s14;
	s21 =	sadd.s32 $0x2C0, s14;
	[smem:$0x7FC] =	sst s30  }
0xc0: {  	s29 =	sadd.s32 $0x3C0, s13;
	[smem:$0x7FD] =	sst s31;
	s1 =	sadd.s32 $0x100, s14  }
0xc1: {  	s15 =	sadd.s32 $0x140, s14;
	s16 =	sadd.s32 $0x180, s14;
	s17 =	sadd.s32 $0x1C0, s14  }
0xc2: {  	s18 =	sadd.s32 $0x200, s14;
	s19 =	sadd.s32 $0x240, s14;
	s20 =	sadd.s32 $0x280, s14  }
0xc3: {  	s22 =	sadd.s32 $0x300, s14;
	s23 =	sadd.s32 $0x340, s14;
	s24 =	sadd.s32 $0x380, s14  }
0xc4: {  	v0 =	vlaneseq.u32;
	v1 =	vimm.f32 $0.0e+00;
	s25 =	sadd.s32 $0x3C0, s14;
	s26 =	simm.s32 $0x1;
	[smem:$0x7FB] =	sst s29  }
.LBB2_1:
0xc5: {  	[tilespmem:s2], [sflag:$0x1] =	stream.linear.gather [hbm4b:s3+s2], $0x80, $0x38;
	[tilespmem:$0xA080] =	vst v63  }
0xc6: {  	s29 =	rddreg [dreg:$0x14];
	s30 =	simm.s32 $0x400  }
0xc7: {  	[tilespmem:s30], [sflag:$0x1] =	stream.linear.gather [hbm4b:s29+s2], $0x80, $0x38;
	[tilespmem:$0xA080] =	vst v63  }
0xc8: {  	s29 =	rddreg [dreg:$0x15];
	s30 =	simm.s32 $0x800  }
0xc9: {  	[tilespmem:s30], [sflag:$0x1] =	stream.linear.gather [hbm4b:s29+s2], $0x80, $0x38;
	[tilespmem:$0xA080] =	vst v63  }
0xca: {  	s29 =	rddreg [dreg:$0x16];
	s30 =	simm.s32 $0xC00  }
0xcb: {  	[tilespmem:s30], [sflag:$0x1] =	stream.linear.gather [hbm4b:s29+s2], $0x80, $0x38;
	[tilespmem:$0xA080] =	vst v63  }
0xcc: {  	s29 =	rddreg [dreg:$0x17];
	s30 =	simm.s32 $0x1000  }
0xcd: {  	[tilespmem:s30], [sflag:$0x1] =	stream.linear.gather [hbm4b:s29+s2], $0x80, $0x38;
	[tilespmem:$0xA080] =	vst v63  }
0xce: {  	s29 =	rddreg [dreg:$0x18];
	s30 =	simm.s32 $0x1400  }
0xcf: {  	[tilespmem:s30], [sflag:$0x1] =	stream.linear.gather [hbm4b:s29+s2], $0x80, $0x38;
	[tilespmem:$0xA080] =	vst v63  }
0xd0: {  	s29 =	rddreg [dreg:$0x19];
	s30 =	simm.s32 $0x1800  }
0xd1: {  	[tilespmem:s30], [sflag:$0x1] =	stream.linear.gather [hbm4b:s29+s2], $0x80, $0x38;
	[tilespmem:$0xA080] =	vst v63  }
0xd2: {  	s29 =	rddreg [dreg:$0x1a];
	s30 =	simm.s32 $0x1C00  }
0xd3: {  	[tilespmem:s30], [sflag:$0x1] =	stream.linear.gather [hbm4b:s29+s2], $0x80, $0x38;
	[tilespmem:$0xA080] =	vst v63  }
0xd4: {  	s29 =	rddreg [dreg:$0x1b];
	s30 =	simm.s32 $0x2000  }
0xd5: {  	[tilespmem:s30], [sflag:$0x1] =	stream.linear.gather [hbm4b:s29+s2], $0x80, $0x38;
	[tilespmem:$0xA080] =	vst v63  }
0xd6: {  	s29 =	rddreg [dreg:$0x1c];
	s30 =	simm.s32 $0x2400  }
0xd7: {  	[tilespmem:s30], [sflag:$0x1] =	stream.linear.gather [hbm4b:s29+s2], $0x80, $0x38;
	[tilespmem:$0xA080] =	vst v63  }
0xd8: {  	s29 =	rddreg [dreg:$0x1d];
	s30 =	simm.s32 $0x2800  }
0xd9: {  	[tilespmem:s30], [sflag:$0x1] =	stream.linear.gather [hbm4b:s29+s2], $0x80, $0x38;
	[tilespmem:$0xA080] =	vst v63  }
0xda: {  	s29 =	rddreg [dreg:$0x1e];
	s30 =	simm.s32 $0x2C00  }
0xdb: {  	[tilespmem:s30], [sflag:$0x1] =	stream.linear.gather [hbm4b:s29+s2], $0x80, $0x38;
	[tilespmem:$0xA080] =	vst v63  }
0xdc: {  	s29 =	rddreg [dreg:$0x1f];
	s30 =	simm.s32 $0x3000  }
0xdd: {  	[tilespmem:s30], [sflag:$0x1] =	stream.linear.gather [hbm4b:s29+s2], $0x80, $0x38;
	[tilespmem:$0xA080] =	vst v63  }
0xde: {  	s29 =	sld [smem:$0x763];
	_ =	sdelay $0x1  }
0xdf: {  	s30 =	simm.s32 $0x3400  }
0xe0: {  	[tilespmem:s30], [sflag:$0x1] =	stream.linear.gather [hbm4b:s29+s2], $0x80, $0x38;
	[tilespmem:$0xA080] =	vst v63  }
0xe1: {  	s29 =	sld [smem:$0x764];
	_ =	sdelay $0x1  }
0xe2: {  	s30 =	simm.s32 $0x3800  }
0xe3: {  	[tilespmem:s30], [sflag:$0x1] =	stream.linear.gather [hbm4b:s29+s2], $0x80, $0x38;
	[tilespmem:$0xA080] =	vst v63  }
0xe4: {  	s29 =	sld [smem:$0x765];
	_ =	sdelay $0x1  }
0xe5: {  	s30 =	simm.s32 $0x3C00  }
0xe6: {  	[tilespmem:s30], [sflag:$0x1] =	stream.linear.gather [hbm4b:s29+s2], $0x80, $0x38;
	[tilespmem:$0xA080] =	vst v63  }
0xe7: {  	s29 =	simm.s32 $0x80  }
0xe8: {  	[tilespmem:s29], [sflag:$0x1] =	stream.linear.gather [hbm4b:s4+s2], $0x80, $0x38;
	[tilespmem:$0xA080] =	vst v63  }
0xe9: {  	s29 =	sld [smem:$0x766];
	_ =	sdelay $0x1  }
0xea: {  	s30 =	simm.s32 $0x480  }
0xeb: {  	[tilespmem:s30], [sflag:$0x1] =	stream.linear.gather [hbm4b:s29+s2], $0x80, $0x38;
	[tilespmem:$0xA080] =	vst v63  }
0xec: {  	s29 =	sld [smem:$0x767];
	_ =	sdelay $0x1  }
0xed: {  	s30 =	simm.s32 $0x880  }
0xee: {  	[tilespmem:s30], [sflag:$0x1] =	stream.linear.gather [hbm4b:s29+s2], $0x80, $0x38;
	[tilespmem:$0xA080] =	vst v63  }
0xef: {  	s29 =	sld [smem:$0x768];
	_ =	sdelay $0x1  }
0xf0: {  	s30 =	simm.s32 $0xC80  }
0xf1: {  	[tilespmem:s30], [sflag:$0x1] =	stream.linear.gather [hbm4b:s29+s2], $0x80, $0x38;
	[tilespmem:$0xA080] =	vst v63  }
0xf2: {  	s29 =	sld [smem:$0x769];
	_ =	sdelay $0x1  }
0xf3: {  	s30 =	simm.s32 $0x1080  }
0xf4: {  	[tilespmem:s30], [sflag:$0x1] =	stream.linear.gather [hbm4b:s29+s2], $0x80, $0x38;
	[tilespmem:$0xA080] =	vst v63  }
0xf5: {  	s29 =	sld [smem:$0x76A];
	_ =	sdelay $0x1  }
0xf6: {  	s30 =	simm.s32 $0x1480  }
0xf7: {  	[tilespmem:s30], [sflag:$0x1] =	stream.linear.gather [hbm4b:s29+s2], $0x80, $0x38;
	[tilespmem:$0xA080] =	vst v63  }
0xf8: {  	s29 =	sld [smem:$0x76B];
	_ =	sdelay $0x1  }
0xf9: {  	s30 =	simm.s32 $0x1880  }
0xfa: {  	[tilespmem:s30], [sflag:$0x1] =	stream.linear.gather [hbm4b:s29+s2], $0x80, $0x38;
	[tilespmem:$0xA080] =	vst v63  }
0xfb: {  	s29 =	sld [smem:$0x76C];
	_ =	sdelay $0x1  }
0xfc: {  	s30 =	simm.s32 $0x1C80  }
0xfd: {  	[tilespmem:s30], [sflag:$0x1] =	stream.linear.gather [hbm4b:s29+s2], $0x80, $0x38;
	[tilespmem:$0xA080] =	vst v63  }
0xfe: {  	s29 =	sld [smem:$0x76D];
	_ =	sdelay $0x1  }
0xff: {  	s30 =	simm.s32 $0x2080  }
0x100: {  	[tilespmem:s30], [sflag:$0x1] =	stream.linear.gather [hbm4b:s29+s2], $0x80, $0x38;
	[tilespmem:$0xA080] =	vst v63  }
0x101: {  	s29 =	sld [smem:$0x76E];
	_ =	sdelay $0x1  }
0x102: {  	s30 =	simm.s32 $0x2480  }
0x103: {  	[tilespmem:s30], [sflag:$0x1] =	stream.linear.gather [hbm4b:s29+s2], $0x80, $0x38;
	[tilespmem:$0xA080] =	vst v63  }
0x104: {  	s29 =	sld [smem:$0x76F];
	_ =	sdelay $0x1  }
0x105: {  	s30 =	simm.s32 $0x2880  }
0x106: {  	[tilespmem:s30], [sflag:$0x1] =	stream.linear.gather [hbm4b:s29+s2], $0x80, $0x38;
	[tilespmem:$0xA080] =	vst v63  }
0x107: {  	s29 =	sld [smem:$0x770];
	_ =	sdelay $0x1  }
0x108: {  	s30 =	simm.s32 $0x2C80  }
0x109: {  	[tilespmem:s30], [sflag:$0x1] =	stream.linear.gather [hbm4b:s29+s2], $0x80, $0x38;
	[tilespmem:$0xA080] =	vst v63  }
0x10a: {  	s29 =	sld [smem:$0x771];
	_ =	sdelay $0x1  }
0x10b: {  	s30 =	simm.s32 $0x3080  }
0x10c: {  	[tilespmem:s30], [sflag:$0x1] =	stream.linear.gather [hbm4b:s29+s2], $0x80, $0x38;
	[tilespmem:$0xA080] =	vst v63  }
0x10d: {  	s29 =	sld [smem:$0x772];
	_ =	sdelay $0x1  }
0x10e: {  	s30 =	simm.s32 $0x3480  }
0x10f: {  	[tilespmem:s30], [sflag:$0x1] =	stream.linear.gather [hbm4b:s29+s2], $0x80, $0x38;
	[tilespmem:$0xA080] =	vst v63  }
0x110: {  	s29 =	sld [smem:$0x773];
	_ =	sdelay $0x1  }
0x111: {  	s30 =	simm.s32 $0x3880  }
0x112: {  	[tilespmem:s30], [sflag:$0x1] =	stream.linear.gather [hbm4b:s29+s2], $0x80, $0x38;
	[tilespmem:$0xA080] =	vst v63  }
0x113: {  	s29 =	sld [smem:$0x774];
	_ =	sdelay $0x1  }
0x114: {  	s30 =	simm.s32 $0x3C80  }
0x115: {  	[tilespmem:s30], [sflag:$0x1] =	stream.linear.gather [hbm4b:s29+s2], $0x80, $0x38;
	[tilespmem:$0xA080] =	vst v63  }
0x116: {  	s29 =	simm.s32 $0x100  }
0x117: {  	[tilespmem:s29], [sflag:$0x1] =	stream.linear.gather [hbm4b:s5+s2], $0x80, $0x38;
	[tilespmem:$0xA080] =	vst v63  }
0x118: {  	s29 =	sld [smem:$0x775];
	_ =	sdelay $0x1  }
0x119: {  	s30 =	simm.s32 $0x500  }
0x11a: {  	[tilespmem:s30], [sflag:$0x1] =	stream.linear.gather [hbm4b:s29+s2], $0x80, $0x38;
	[tilespmem:$0xA080] =	vst v63  }
0x11b: {  	s29 =	sld [smem:$0x776];
	_ =	sdelay $0x1  }
0x11c: {  	s30 =	simm.s32 $0x900  }
0x11d: {  	[tilespmem:s30], [sflag:$0x1] =	stream.linear.gather [hbm4b:s29+s2], $0x80, $0x38;
	[tilespmem:$0xA080] =	vst v63  }
0x11e: {  	s29 =	sld [smem:$0x777];
	_ =	sdelay $0x1  }
0x11f: {  	s30 =	simm.s32 $0xD00  }
0x120: {  	[tilespmem:s30], [sflag:$0x1] =	stream.linear.gather [hbm4b:s29+s2], $0x80, $0x38;
	[tilespmem:$0xA080] =	vst v63  }
0x121: {  	s29 =	sld [smem:$0x778];
	_ =	sdelay $0x1  }
0x122: {  	s30 =	simm.s32 $0x1100  }
0x123: {  	[tilespmem:s30], [sflag:$0x1] =	stream.linear.gather [hbm4b:s29+s2], $0x80, $0x38;
	[tilespmem:$0xA080] =	vst v63  }
0x124: {  	s29 =	sld [smem:$0x779];
	_ =	sdelay $0x1  }
0x125: {  	s30 =	simm.s32 $0x1500  }
0x126: {  	[tilespmem:s30], [sflag:$0x1] =	stream.linear.gather [hbm4b:s29+s2], $0x80, $0x38;
	[tilespmem:$0xA080] =	vst v63  }
0x127: {  	s29 =	sld [smem:$0x77A];
	_ =	sdelay $0x1  }
0x128: {  	s30 =	simm.s32 $0x1900  }
0x129: {  	[tilespmem:s30], [sflag:$0x1] =	stream.linear.gather [hbm4b:s29+s2], $0x80, $0x38;
	[tilespmem:$0xA080] =	vst v63  }
0x12a: {  	s29 =	sld [smem:$0x77B];
	_ =	sdelay $0x1  }
0x12b: {  	s30 =	simm.s32 $0x1D00  }
0x12c: {  	[tilespmem:s30], [sflag:$0x1] =	stream.linear.gather [hbm4b:s29+s2], $0x80, $0x38;
	[tilespmem:$0xA080] =	vst v63  }
0x12d: {  	s29 =	sld [smem:$0x77C];
	_ =	sdelay $0x1  }
0x12e: {  	s30 =	simm.s32 $0x2100  }
0x12f: {  	[tilespmem:s30], [sflag:$0x1] =	stream.linear.gather [hbm4b:s29+s2], $0x80, $0x38;
	[tilespmem:$0xA080] =	vst v63  }
0x130: {  	s29 =	sld [smem:$0x77D];
	_ =	sdelay $0x1  }
0x131: {  	s30 =	simm.s32 $0x2500  }
0x132: {  	[tilespmem:s30], [sflag:$0x1] =	stream.linear.gather [hbm4b:s29+s2], $0x80, $0x38;
	[tilespmem:$0xA080] =	vst v63  }
0x133: {  	s29 =	sld [smem:$0x77E];
	_ =	sdelay $0x1  }
0x134: {  	s30 =	simm.s32 $0x2900  }
0x135: {  	[tilespmem:s30], [sflag:$0x1] =	stream.linear.gather [hbm4b:s29+s2], $0x80, $0x38;
	[tilespmem:$0xA080] =	vst v63  }
0x136: {  	s29 =	sld [smem:$0x77F];
	_ =	sdelay $0x1  }
0x137: {  	s30 =	simm.s32 $0x2D00  }
0x138: {  	[tilespmem:s30], [sflag:$0x1] =	stream.linear.gather [hbm4b:s29+s2], $0x80, $0x38;
	[tilespmem:$0xA080] =	vst v63  }
0x139: {  	s29 =	sld [smem:$0x780];
	_ =	sdelay $0x1  }
0x13a: {  	s30 =	simm.s32 $0x3100  }
0x13b: {  	[tilespmem:s30], [sflag:$0x1] =	stream.linear.gather [hbm4b:s29+s2], $0x80, $0x38;
	[tilespmem:$0xA080] =	vst v63  }
0x13c: {  	s29 =	sld [smem:$0x781];
	_ =	sdelay $0x1  }
0x13d: {  	s30 =	simm.s32 $0x3500  }
0x13e: {  	[tilespmem:s30], [sflag:$0x1] =	stream.linear.gather [hbm4b:s29+s2], $0x80, $0x38;
	[tilespmem:$0xA080] =	vst v63  }
0x13f: {  	s29 =	sld [smem:$0x782];
	_ =	sdelay $0x1  }
0x140: {  	s30 =	simm.s32 $0x3900  }
0x141: {  	[tilespmem:s30], [sflag:$0x1] =	stream.linear.gather [hbm4b:s29+s2], $0x80, $0x38;
	[tilespmem:$0xA080] =	vst v63  }
0x142: {  	s29 =	sld [smem:$0x783];
	_ =	sdelay $0x1  }
0x143: {  	s30 =	simm.s32 $0x3D00  }
0x144: {  	[tilespmem:s30], [sflag:$0x1] =	stream.linear.gather [hbm4b:s29+s2], $0x80, $0x38;
	[tilespmem:$0xA080] =	vst v63  }
0x145: {  	s29 =	simm.s32 $0x180  }
0x146: {  	[tilespmem:s29], [sflag:$0x1] =	stream.linear.gather [hbm4b:s6+s2], $0x80, $0x38;
	[tilespmem:$0xA080] =	vst v63  }
0x147: {  	s29 =	sld [smem:$0x784];
	_ =	sdelay $0x1  }
0x148: {  	s30 =	simm.s32 $0x580  }
0x149: {  	[tilespmem:s30], [sflag:$0x1] =	stream.linear.gather [hbm4b:s29+s2], $0x80, $0x38;
	[tilespmem:$0xA080] =	vst v63  }
0x14a: {  	s29 =	sld [smem:$0x785];
	_ =	sdelay $0x1  }
0x14b: {  	s30 =	simm.s32 $0x980  }
0x14c: {  	[tilespmem:s30], [sflag:$0x1] =	stream.linear.gather [hbm4b:s29+s2], $0x80, $0x38;
	[tilespmem:$0xA080] =	vst v63  }
0x14d: {  	s29 =	sld [smem:$0x786];
	_ =	sdelay $0x1  }
0x14e: {  	s30 =	simm.s32 $0xD80  }
0x14f: {  	[tilespmem:s30], [sflag:$0x1] =	stream.linear.gather [hbm4b:s29+s2], $0x80, $0x38;
	[tilespmem:$0xA080] =	vst v63  }
0x150: {  	s29 =	sld [smem:$0x787];
	_ =	sdelay $0x1  }
0x151: {  	s30 =	simm.s32 $0x1180  }
0x152: {  	[tilespmem:s30], [sflag:$0x1] =	stream.linear.gather [hbm4b:s29+s2], $0x80, $0x38;
	[tilespmem:$0xA080] =	vst v63  }
0x153: {  	s29 =	sld [smem:$0x788];
	_ =	sdelay $0x1  }
0x154: {  	s30 =	simm.s32 $0x1580  }
0x155: {  	[tilespmem:s30], [sflag:$0x1] =	stream.linear.gather [hbm4b:s29+s2], $0x80, $0x38;
	[tilespmem:$0xA080] =	vst v63  }
0x156: {  	s29 =	sld [smem:$0x789];
	_ =	sdelay $0x1  }
0x157: {  	s30 =	simm.s32 $0x1980  }
0x158: {  	[tilespmem:s30], [sflag:$0x1] =	stream.linear.gather [hbm4b:s29+s2], $0x80, $0x38;
	[tilespmem:$0xA080] =	vst v63  }
0x159: {  	s29 =	sld [smem:$0x78A];
	_ =	sdelay $0x1  }
0x15a: {  	s30 =	simm.s32 $0x1D80  }
0x15b: {  	[tilespmem:s30], [sflag:$0x1] =	stream.linear.gather [hbm4b:s29+s2], $0x80, $0x38;
	[tilespmem:$0xA080] =	vst v63  }
0x15c: {  	s29 =	sld [smem:$0x78B];
	_ =	sdelay $0x1  }
0x15d: {  	s30 =	simm.s32 $0x2180  }
0x15e: {  	[tilespmem:s30], [sflag:$0x1] =	stream.linear.gather [hbm4b:s29+s2], $0x80, $0x38;
	[tilespmem:$0xA080] =	vst v63  }
0x15f: {  	s29 =	sld [smem:$0x78C];
	_ =	sdelay $0x1  }
0x160: {  	s30 =	simm.s32 $0x2580  }
0x161: {  	[tilespmem:s30], [sflag:$0x1] =	stream.linear.gather [hbm4b:s29+s2], $0x80, $0x38;
	[tilespmem:$0xA080] =	vst v63  }
0x162: {  	s29 =	sld [smem:$0x78D];
	_ =	sdelay $0x1  }
0x163: {  	s30 =	simm.s32 $0x2980  }
0x164: {  	[tilespmem:s30], [sflag:$0x1] =	stream.linear.gather [hbm4b:s29+s2], $0x80, $0x38;
	[tilespmem:$0xA080] =	vst v63  }
0x165: {  	s29 =	sld [smem:$0x78E];
	_ =	sdelay $0x1  }
0x166: {  	s30 =	simm.s32 $0x2D80  }
0x167: {  	[tilespmem:s30], [sflag:$0x1] =	stream.linear.gather [hbm4b:s29+s2], $0x80, $0x38;
	[tilespmem:$0xA080] =	vst v63  }
0x168: {  	s29 =	sld [smem:$0x78F];
	_ =	sdelay $0x1  }
0x169: {  	s30 =	simm.s32 $0x3180  }
0x16a: {  	[tilespmem:s30], [sflag:$0x1] =	stream.linear.gather [hbm4b:s29+s2], $0x80, $0x38;
	[tilespmem:$0xA080] =	vst v63  }
0x16b: {  	s29 =	sld [smem:$0x790];
	_ =	sdelay $0x1  }
0x16c: {  	s30 =	simm.s32 $0x3580  }
0x16d: {  	[tilespmem:s30], [sflag:$0x1] =	stream.linear.gather [hbm4b:s29+s2], $0x80, $0x38;
	[tilespmem:$0xA080] =	vst v63  }
0x16e: {  	s29 =	sld [smem:$0x791];
	_ =	sdelay $0x1  }
0x16f: {  	s30 =	simm.s32 $0x3980  }
0x170: {  	[tilespmem:s30], [sflag:$0x1] =	stream.linear.gather [hbm4b:s29+s2], $0x80, $0x38;
	[tilespmem:$0xA080] =	vst v63  }
0x171: {  	s29 =	sld [smem:$0x792];
	_ =	sdelay $0x1  }
0x172: {  	s30 =	simm.s32 $0x3D80  }
0x173: {  	[tilespmem:s30], [sflag:$0x1] =	stream.linear.gather [hbm4b:s29+s2], $0x80, $0x38;
	[tilespmem:$0xA080] =	vst v63  }
0x174: {  	s29 =	simm.s32 $0x200  }
0x175: {  	[tilespmem:s29], [sflag:$0x1] =	stream.linear.gather [hbm4b:s7+s2], $0x80, $0x38;
	[tilespmem:$0xA080] =	vst v63  }
0x176: {  	s29 =	sld [smem:$0x793];
	_ =	sdelay $0x1  }
0x177: {  	s30 =	simm.s32 $0x600  }
0x178: {  	[tilespmem:s30], [sflag:$0x1] =	stream.linear.gather [hbm4b:s29+s2], $0x80, $0x38;
	[tilespmem:$0xA080] =	vst v63  }
0x179: {  	s29 =	sld [smem:$0x794];
	_ =	sdelay $0x1  }
0x17a: {  	s30 =	simm.s32 $0xA00  }
0x17b: {  	[tilespmem:s30], [sflag:$0x1] =	stream.linear.gather [hbm4b:s29+s2], $0x80, $0x38;
	[tilespmem:$0xA080] =	vst v63  }
0x17c: {  	s29 =	sld [smem:$0x795];
	_ =	sdelay $0x1  }
0x17d: {  	s30 =	simm.s32 $0xE00  }
0x17e: {  	[tilespmem:s30], [sflag:$0x1] =	stream.linear.gather [hbm4b:s29+s2], $0x80, $0x38;
	[tilespmem:$0xA080] =	vst v63  }
0x17f: {  	s29 =	sld [smem:$0x796];
	_ =	sdelay $0x1  }
0x180: {  	s30 =	simm.s32 $0x1200  }
0x181: {  	[tilespmem:s30], [sflag:$0x1] =	stream.linear.gather [hbm4b:s29+s2], $0x80, $0x38;
	[tilespmem:$0xA080] =	vst v63  }
0x182: {  	s29 =	sld [smem:$0x797];
	_ =	sdelay $0x1  }
0x183: {  	s30 =	simm.s32 $0x1600  }
0x184: {  	[tilespmem:s30], [sflag:$0x1] =	stream.linear.gather [hbm4b:s29+s2], $0x80, $0x38;
	[tilespmem:$0xA080] =	vst v63  }
0x185: {  	s29 =	sld [smem:$0x798];
	_ =	sdelay $0x1  }
0x186: {  	s30 =	simm.s32 $0x1A00  }
0x187: {  	[tilespmem:s30], [sflag:$0x1] =	stream.linear.gather [hbm4b:s29+s2], $0x80, $0x38;
	[tilespmem:$0xA080] =	vst v63  }
0x188: {  	s29 =	sld [smem:$0x799];
	_ =	sdelay $0x1  }
0x189: {  	s30 =	simm.s32 $0x1E00  }
0x18a: {  	[tilespmem:s30], [sflag:$0x1] =	stream.linear.gather [hbm4b:s29+s2], $0x80, $0x38;
	[tilespmem:$0xA080] =	vst v63  }
0x18b: {  	s29 =	sld [smem:$0x79A];
	_ =	sdelay $0x1  }
0x18c: {  	s30 =	simm.s32 $0x2200  }
0x18d: {  	[tilespmem:s30], [sflag:$0x1] =	stream.linear.gather [hbm4b:s29+s2], $0x80, $0x38;
	[tilespmem:$0xA080] =	vst v63  }
0x18e: {  	s29 =	sld [smem:$0x79B];
	_ =	sdelay $0x1  }
0x18f: {  	s30 =	simm.s32 $0x2600  }
0x190: {  	[tilespmem:s30], [sflag:$0x1] =	stream.linear.gather [hbm4b:s29+s2], $0x80, $0x38;
	[tilespmem:$0xA080] =	vst v63  }
0x191: {  	s29 =	sld [smem:$0x79C];
	_ =	sdelay $0x1  }
0x192: {  	s30 =	simm.s32 $0x2A00  }
0x193: {  	[tilespmem:s30], [sflag:$0x1] =	stream.linear.gather [hbm4b:s29+s2], $0x80, $0x38;
	[tilespmem:$0xA080] =	vst v63  }
0x194: {  	s29 =	sld [smem:$0x79D];
	_ =	sdelay $0x1  }
0x195: {  	s30 =	simm.s32 $0x2E00  }
0x196: {  	[tilespmem:s30], [sflag:$0x1] =	stream.linear.gather [hbm4b:s29+s2], $0x80, $0x38;
	[tilespmem:$0xA080] =	vst v63  }
0x197: {  	s29 =	sld [smem:$0x79E];
	_ =	sdelay $0x1  }
0x198: {  	s30 =	simm.s32 $0x3200  }
0x199: {  	[tilespmem:s30], [sflag:$0x1] =	stream.linear.gather [hbm4b:s29+s2], $0x80, $0x38;
	[tilespmem:$0xA080] =	vst v63  }
0x19a: {  	s29 =	sld [smem:$0x79F];
	_ =	sdelay $0x1  }
0x19b: {  	s30 =	simm.s32 $0x3600  }
0x19c: {  	[tilespmem:s30], [sflag:$0x1] =	stream.linear.gather [hbm4b:s29+s2], $0x80, $0x38;
	[tilespmem:$0xA080] =	vst v63  }
0x19d: {  	s29 =	sld [smem:$0x7A0];
	_ =	sdelay $0x1  }
0x19e: {  	s30 =	simm.s32 $0x3A00  }
0x19f: {  	[tilespmem:s30], [sflag:$0x1] =	stream.linear.gather [hbm4b:s29+s2], $0x80, $0x38;
	[tilespmem:$0xA080] =	vst v63  }
0x1a0: {  	s29 =	sld [smem:$0x7A1];
	_ =	sdelay $0x1  }
0x1a1: {  	s30 =	simm.s32 $0x3E00  }
0x1a2: {  	[tilespmem:s30], [sflag:$0x1] =	stream.linear.gather [hbm4b:s29+s2], $0x80, $0x38;
	[tilespmem:$0xA080] =	vst v63  }
0x1a3: {  	s29 =	simm.s32 $0x280  }
0x1a4: {  	[tilespmem:s29], [sflag:$0x1] =	stream.linear.gather [hbm4b:s8+s2], $0x80, $0x38;
	[tilespmem:$0xA080] =	vst v63  }
0x1a5: {  	s29 =	sld [smem:$0x7A2];
	_ =	sdelay $0x1  }
0x1a6: {  	s30 =	simm.s32 $0x680  }
0x1a7: {  	[tilespmem:s30], [sflag:$0x1] =	stream.linear.gather [hbm4b:s29+s2], $0x80, $0x38;
	[tilespmem:$0xA080] =	vst v63  }
0x1a8: {  	s29 =	sld [smem:$0x7A3];
	_ =	sdelay $0x1  }
0x1a9: {  	s30 =	simm.s32 $0xA80  }
0x1aa: {  	[tilespmem:s30], [sflag:$0x1] =	stream.linear.gather [hbm4b:s29+s2], $0x80, $0x38;
	[tilespmem:$0xA080] =	vst v63  }
0x1ab: {  	s29 =	sld [smem:$0x7A4];
	_ =	sdelay $0x1  }
0x1ac: {  	s30 =	simm.s32 $0xE80  }
0x1ad: {  	[tilespmem:s30], [sflag:$0x1] =	stream.linear.gather [hbm4b:s29+s2], $0x80, $0x38;
	[tilespmem:$0xA080] =	vst v63  }
0x1ae: {  	s29 =	sld [smem:$0x7A5];
	_ =	sdelay $0x1  }
0x1af: {  	s30 =	simm.s32 $0x1280  }
0x1b0: {  	[tilespmem:s30], [sflag:$0x1] =	stream.linear.gather [hbm4b:s29+s2], $0x80, $0x38;
	[tilespmem:$0xA080] =	vst v63  }
0x1b1: {  	s29 =	sld [smem:$0x7A6];
	_ =	sdelay $0x1  }
0x1b2: {  	s30 =	simm.s32 $0x1680  }
0x1b3: {  	[tilespmem:s30], [sflag:$0x1] =	stream.linear.gather [hbm4b:s29+s2], $0x80, $0x38;
	[tilespmem:$0xA080] =	vst v63  }
0x1b4: {  	s29 =	sld [smem:$0x7A7];
	_ =	sdelay $0x1  }
0x1b5: {  	s30 =	simm.s32 $0x1A80  }
0x1b6: {  	[tilespmem:s30], [sflag:$0x1] =	stream.linear.gather [hbm4b:s29+s2], $0x80, $0x38;
	[tilespmem:$0xA080] =	vst v63  }
0x1b7: {  	s29 =	sld [smem:$0x7A8];
	_ =	sdelay $0x1  }
0x1b8: {  	s30 =	simm.s32 $0x1E80  }
0x1b9: {  	[tilespmem:s30], [sflag:$0x1] =	stream.linear.gather [hbm4b:s29+s2], $0x80, $0x38;
	[tilespmem:$0xA080] =	vst v63  }
0x1ba: {  	s29 =	sld [smem:$0x7A9];
	_ =	sdelay $0x1  }
0x1bb: {  	s30 =	simm.s32 $0x2280  }
0x1bc: {  	[tilespmem:s30], [sflag:$0x1] =	stream.linear.gather [hbm4b:s29+s2], $0x80, $0x38;
	[tilespmem:$0xA080] =	vst v63  }
0x1bd: {  	s29 =	sld [smem:$0x7AA];
	_ =	sdelay $0x1  }
0x1be: {  	s30 =	simm.s32 $0x2680  }
0x1bf: {  	[tilespmem:s30], [sflag:$0x1] =	stream.linear.gather [hbm4b:s29+s2], $0x80, $0x38;
	[tilespmem:$0xA080] =	vst v63  }
0x1c0: {  	s29 =	sld [smem:$0x7AB];
	_ =	sdelay $0x1  }
0x1c1: {  	s30 =	simm.s32 $0x2A80  }
0x1c2: {  	[tilespmem:s30], [sflag:$0x1] =	stream.linear.gather [hbm4b:s29+s2], $0x80, $0x38;
	[tilespmem:$0xA080] =	vst v63  }
0x1c3: {  	s29 =	sld [smem:$0x7AC];
	_ =	sdelay $0x1  }
0x1c4: {  	s30 =	simm.s32 $0x2E80  }
0x1c5: {  	[tilespmem:s30], [sflag:$0x1] =	stream.linear.gather [hbm4b:s29+s2], $0x80, $0x38;
	[tilespmem:$0xA080] =	vst v63  }
0x1c6: {  	s29 =	sld [smem:$0x7AD];
	_ =	sdelay $0x1  }
0x1c7: {  	s30 =	simm.s32 $0x3280  }
0x1c8: {  	[tilespmem:s30], [sflag:$0x1] =	stream.linear.gather [hbm4b:s29+s2], $0x80, $0x38;
	[tilespmem:$0xA080] =	vst v63  }
0x1c9: {  	s29 =	sld [smem:$0x7AE];
	_ =	sdelay $0x1  }
0x1ca: {  	s30 =	simm.s32 $0x3680  }
0x1cb: {  	[tilespmem:s30], [sflag:$0x1] =	stream.linear.gather [hbm4b:s29+s2], $0x80, $0x38;
	[tilespmem:$0xA080] =	vst v63  }
0x1cc: {  	s29 =	sld [smem:$0x7AF];
	_ =	sdelay $0x1  }
0x1cd: {  	s30 =	simm.s32 $0x3A80  }
0x1ce: {  	[tilespmem:s30], [sflag:$0x1] =	stream.linear.gather [hbm4b:s29+s2], $0x80, $0x38;
	[tilespmem:$0xA080] =	vst v63  }
0x1cf: {  	s29 =	sld [smem:$0x7B0];
	_ =	sdelay $0x1  }
0x1d0: {  	s30 =	simm.s32 $0x3E80  }
0x1d1: {  	[tilespmem:s30], [sflag:$0x1] =	stream.linear.gather [hbm4b:s29+s2], $0x80, $0x38;
	[tilespmem:$0xA080] =	vst v63  }
0x1d2: {  	s29 =	simm.s32 $0x300  }
0x1d3: {  	[tilespmem:s29], [sflag:$0x1] =	stream.linear.gather [hbm4b:s9+s2], $0x80, $0x38;
	[tilespmem:$0xA080] =	vst v63  }
0x1d4: {  	s29 =	sld [smem:$0x7B1];
	_ =	sdelay $0x1  }
0x1d5: {  	s30 =	simm.s32 $0x700  }
0x1d6: {  	[tilespmem:s30], [sflag:$0x1] =	stream.linear.gather [hbm4b:s29+s2], $0x80, $0x38;
	[tilespmem:$0xA080] =	vst v63  }
0x1d7: {  	s29 =	sld [smem:$0x7B2];
	_ =	sdelay $0x1  }
0x1d8: {  	s30 =	simm.s32 $0xB00  }
0x1d9: {  	[tilespmem:s30], [sflag:$0x1] =	stream.linear.gather [hbm4b:s29+s2], $0x80, $0x38;
	[tilespmem:$0xA080] =	vst v63  }
0x1da: {  	s29 =	sld [smem:$0x7B3];
	_ =	sdelay $0x1  }
0x1db: {  	s30 =	simm.s32 $0xF00  }
0x1dc: {  	[tilespmem:s30], [sflag:$0x1] =	stream.linear.gather [hbm4b:s29+s2], $0x80, $0x38;
	[tilespmem:$0xA080] =	vst v63  }
0x1dd: {  	s29 =	sld [smem:$0x7B4];
	_ =	sdelay $0x1  }
0x1de: {  	s30 =	simm.s32 $0x1300  }
0x1df: {  	[tilespmem:s30], [sflag:$0x1] =	stream.linear.gather [hbm4b:s29+s2], $0x80, $0x38;
	[tilespmem:$0xA080] =	vst v63  }
0x1e0: {  	s29 =	sld [smem:$0x7B5];
	_ =	sdelay $0x1  }
0x1e1: {  	s30 =	simm.s32 $0x1700  }
0x1e2: {  	[tilespmem:s30], [sflag:$0x1] =	stream.linear.gather [hbm4b:s29+s2], $0x80, $0x38;
	[tilespmem:$0xA080] =	vst v63  }
0x1e3: {  	s29 =	sld [smem:$0x7B6];
	_ =	sdelay $0x1  }
0x1e4: {  	s30 =	simm.s32 $0x1B00  }
0x1e5: {  	[tilespmem:s30], [sflag:$0x1] =	stream.linear.gather [hbm4b:s29+s2], $0x80, $0x38;
	[tilespmem:$0xA080] =	vst v63  }
0x1e6: {  	s29 =	sld [smem:$0x7B7];
	_ =	sdelay $0x1  }
0x1e7: {  	s30 =	simm.s32 $0x1F00  }
0x1e8: {  	[tilespmem:s30], [sflag:$0x1] =	stream.linear.gather [hbm4b:s29+s2], $0x80, $0x38;
	[tilespmem:$0xA080] =	vst v63  }
0x1e9: {  	s29 =	sld [smem:$0x7B8];
	_ =	sdelay $0x1  }
0x1ea: {  	s30 =	simm.s32 $0x2300  }
0x1eb: {  	[tilespmem:s30], [sflag:$0x1] =	stream.linear.gather [hbm4b:s29+s2], $0x80, $0x38;
	[tilespmem:$0xA080] =	vst v63  }
0x1ec: {  	s29 =	sld [smem:$0x7B9];
	_ =	sdelay $0x1  }
0x1ed: {  	s30 =	simm.s32 $0x2700  }
0x1ee: {  	[tilespmem:s30], [sflag:$0x1] =	stream.linear.gather [hbm4b:s29+s2], $0x80, $0x38;
	[tilespmem:$0xA080] =	vst v63  }
0x1ef: {  	s29 =	sld [smem:$0x7BA];
	_ =	sdelay $0x1  }
0x1f0: {  	s30 =	simm.s32 $0x2B00  }
0x1f1: {  	[tilespmem:s30], [sflag:$0x1] =	stream.linear.gather [hbm4b:s29+s2], $0x80, $0x38;
	[tilespmem:$0xA080] =	vst v63  }
0x1f2: {  	s29 =	sld [smem:$0x7BB];
	_ =	sdelay $0x1  }
0x1f3: {  	s30 =	simm.s32 $0x2F00  }
0x1f4: {  	[tilespmem:s30], [sflag:$0x1] =	stream.linear.gather [hbm4b:s29+s2], $0x80, $0x38;
	[tilespmem:$0xA080] =	vst v63  }
0x1f5: {  	s29 =	sld [smem:$0x7BC];
	_ =	sdelay $0x1  }
0x1f6: {  	s30 =	simm.s32 $0x3300  }
0x1f7: {  	[tilespmem:s30], [sflag:$0x1] =	stream.linear.gather [hbm4b:s29+s2], $0x80, $0x38;
	[tilespmem:$0xA080] =	vst v63  }
0x1f8: {  	s29 =	sld [smem:$0x7BD];
	_ =	sdelay $0x1  }
0x1f9: {  	s30 =	simm.s32 $0x3700  }
0x1fa: {  	[tilespmem:s30], [sflag:$0x1] =	stream.linear.gather [hbm4b:s29+s2], $0x80, $0x38;
	[tilespmem:$0xA080] =	vst v63  }
0x1fb: {  	s29 =	sld [smem:$0x7BE];
	_ =	sdelay $0x1  }
0x1fc: {  	s30 =	simm.s32 $0x3B00  }
0x1fd: {  	[tilespmem:s30], [sflag:$0x1] =	stream.linear.gather [hbm4b:s29+s2], $0x80, $0x38;
	[tilespmem:$0xA080] =	vst v63  }
0x1fe: {  	s29 =	sld [smem:$0x7BF];
	_ =	sdelay $0x1  }
0x1ff: {  	s30 =	simm.s32 $0x3F00  }
0x200: {  	[tilespmem:s30], [sflag:$0x1] =	stream.linear.gather [hbm4b:s29+s2], $0x80, $0x38;
	[tilespmem:$0xA080] =	vst v63  }
0x201: {  	s29 =	simm.s32 $0x380  }
0x202: {  	[tilespmem:s29], [sflag:$0x1] =	stream.linear.gather [hbm4b:s10+s2], $0x80, $0x38;
	[tilespmem:$0xA080] =	vst v63  }
0x203: {  	s29 =	sld [smem:$0x7C0];
	_ =	sdelay $0x1  }
0x204: {  	s30 =	simm.s32 $0x780  }
0x205: {  	[tilespmem:s30], [sflag:$0x1] =	stream.linear.gather [hbm4b:s29+s2], $0x80, $0x38;
	[tilespmem:$0xA080] =	vst v63  }
0x206: {  	s29 =	sld [smem:$0x7C1];
	_ =	sdelay $0x1  }
0x207: {  	s30 =	simm.s32 $0xB80  }
0x208: {  	[tilespmem:s30], [sflag:$0x1] =	stream.linear.gather [hbm4b:s29+s2], $0x80, $0x38;
	[tilespmem:$0xA080] =	vst v63  }
0x209: {  	s29 =	sld [smem:$0x7C2];
	_ =	sdelay $0x1  }
0x20a: {  	s30 =	simm.s32 $0xF80  }
0x20b: {  	[tilespmem:s30], [sflag:$0x1] =	stream.linear.gather [hbm4b:s29+s2], $0x80, $0x38;
	[tilespmem:$0xA080] =	vst v63  }
0x20c: {  	s29 =	sld [smem:$0x7C3];
	_ =	sdelay $0x1  }
0x20d: {  	s30 =	simm.s32 $0x1380  }
0x20e: {  	[tilespmem:s30], [sflag:$0x1] =	stream.linear.gather [hbm4b:s29+s2], $0x80, $0x38;
	[tilespmem:$0xA080] =	vst v63  }
0x20f: {  	s29 =	sld [smem:$0x7C4];
	_ =	sdelay $0x1  }
0x210: {  	s30 =	simm.s32 $0x1780  }
0x211: {  	[tilespmem:s30], [sflag:$0x1] =	stream.linear.gather [hbm4b:s29+s2], $0x80, $0x38;
	[tilespmem:$0xA080] =	vst v63  }
0x212: {  	s29 =	sld [smem:$0x7C5];
	_ =	sdelay $0x1  }
0x213: {  	s30 =	simm.s32 $0x1B80  }
0x214: {  	[tilespmem:s30], [sflag:$0x1] =	stream.linear.gather [hbm4b:s29+s2], $0x80, $0x38;
	[tilespmem:$0xA080] =	vst v63  }
0x215: {  	s29 =	sld [smem:$0x7C6];
	_ =	sdelay $0x1  }
0x216: {  	s30 =	simm.s32 $0x1F80  }
0x217: {  	[tilespmem:s30], [sflag:$0x1] =	stream.linear.gather [hbm4b:s29+s2], $0x80, $0x38;
	[tilespmem:$0xA080] =	vst v63  }
0x218: {  	s29 =	sld [smem:$0x7C7];
	_ =	sdelay $0x1  }
0x219: {  	s30 =	simm.s32 $0x2380  }
0x21a: {  	[tilespmem:s30], [sflag:$0x1] =	stream.linear.gather [hbm4b:s29+s2], $0x80, $0x38;
	[tilespmem:$0xA080] =	vst v63  }
0x21b: {  	s29 =	sld [smem:$0x7C8];
	_ =	sdelay $0x1  }
0x21c: {  	s30 =	simm.s32 $0x2780  }
0x21d: {  	[tilespmem:s30], [sflag:$0x1] =	stream.linear.gather [hbm4b:s29+s2], $0x80, $0x38;
	[tilespmem:$0xA080] =	vst v63  }
0x21e: {  	s29 =	sld [smem:$0x7C9];
	_ =	sdelay $0x1  }
0x21f: {  	s30 =	simm.s32 $0x2B80  }
0x220: {  	[tilespmem:s30], [sflag:$0x1] =	stream.linear.gather [hbm4b:s29+s2], $0x80, $0x38;
	[tilespmem:$0xA080] =	vst v63  }
0x221: {  	s29 =	sld [smem:$0x7CA];
	_ =	sdelay $0x1  }
0x222: {  	s30 =	simm.s32 $0x2F80  }
0x223: {  	[tilespmem:s30], [sflag:$0x1] =	stream.linear.gather [hbm4b:s29+s2], $0x80, $0x38;
	[tilespmem:$0xA080] =	vst v63  }
0x224: {  	s29 =	sld [smem:$0x7CB];
	_ =	sdelay $0x1  }
0x225: {  	s30 =	simm.s32 $0x3380  }
0x226: {  	[tilespmem:s30], [sflag:$0x1] =	stream.linear.gather [hbm4b:s29+s2], $0x80, $0x38;
	[tilespmem:$0xA080] =	vst v63  }
0x227: {  	s29 =	sld [smem:$0x7CC];
	_ =	sdelay $0x1  }
0x228: {  	s30 =	simm.s32 $0x3780  }
0x229: {  	[tilespmem:s30], [sflag:$0x1] =	stream.linear.gather [hbm4b:s29+s2], $0x80, $0x38;
	[tilespmem:$0xA080] =	vst v63  }
0x22a: {  	s29 =	sld [smem:$0x7CD];
	_ =	sdelay $0x1  }
0x22b: {  	s30 =	simm.s32 $0x3B80  }
0x22c: {  	[tilespmem:s30], [sflag:$0x1] =	stream.linear.gather [hbm4b:s29+s2], $0x80, $0x38;
	[tilespmem:$0xA080] =	vst v63  }
0x22d: {  	s29 =	sld [smem:$0x7CE];
	_ =	sdelay $0x1  }
0x22e: {  	s30 =	simm.s32 $0x3F80  }
0x22f: {  	[tilespmem:s30], [sflag:$0x1] =	stream.linear.gather [hbm4b:s29+s2], $0x80, $0x38;
	[tilespmem:$0xA080] =	vst v63  }
0x230: {  	s29 =	simm.s32 $0x4000  }
0x231: {  	[tilespmem:s29], [sflag:$0x1] =	stream.linear.gather [hbm4b:s11+s2], $0x80, $0x38;
	[tilespmem:$0xA080] =	vst v63  }
0x232: {  	s29 =	sld [smem:$0x7CF];
	_ =	sdelay $0x1  }
0x233: {  	s30 =	simm.s32 $0x4400  }
0x234: {  	[tilespmem:s30], [sflag:$0x1] =	stream.linear.gather [hbm4b:s29+s2], $0x80, $0x38;
	[tilespmem:$0xA080] =	vst v63  }
0x235: {  	s29 =	sld [smem:$0x7D0];
	_ =	sdelay $0x1  }
0x236: {  	s30 =	simm.s32 $0x4800  }
0x237: {  	[tilespmem:s30], [sflag:$0x1] =	stream.linear.gather [hbm4b:s29+s2], $0x80, $0x38;
	[tilespmem:$0xA080] =	vst v63  }
0x238: {  	s29 =	sld [smem:$0x7D1];
	_ =	sdelay $0x1  }
0x239: {  	s30 =	simm.s32 $0x4C00  }
0x23a: {  	[tilespmem:s30], [sflag:$0x1] =	stream.linear.gather [hbm4b:s29+s2], $0x80, $0x38;
	[tilespmem:$0xA080] =	vst v63  }
0x23b: {  	s29 =	sld [smem:$0x7D2];
	_ =	sdelay $0x1  }
0x23c: {  	s30 =	simm.s32 $0x5000  }
0x23d: {  	[tilespmem:s30], [sflag:$0x1] =	stream.linear.gather [hbm4b:s29+s2], $0x80, $0x38;
	[tilespmem:$0xA080] =	vst v63  }
0x23e: {  	s29 =	sld [smem:$0x7D3];
	_ =	sdelay $0x1  }
0x23f: {  	s30 =	simm.s32 $0x5400  }
0x240: {  	[tilespmem:s30], [sflag:$0x1] =	stream.linear.gather [hbm4b:s29+s2], $0x80, $0x38;
	[tilespmem:$0xA080] =	vst v63  }
0x241: {  	s29 =	sld [smem:$0x7D4];
	_ =	sdelay $0x1  }
0x242: {  	s30 =	simm.s32 $0x5800  }
0x243: {  	[tilespmem:s30], [sflag:$0x1] =	stream.linear.gather [hbm4b:s29+s2], $0x80, $0x38;
	[tilespmem:$0xA080] =	vst v63  }
0x244: {  	s29 =	sld [smem:$0x7D5];
	_ =	sdelay $0x1  }
0x245: {  	s30 =	simm.s32 $0x5C00  }
0x246: {  	[tilespmem:s30], [sflag:$0x1] =	stream.linear.gather [hbm4b:s29+s2], $0x80, $0x38;
	[tilespmem:$0xA080] =	vst v63  }
0x247: {  	s29 =	sld [smem:$0x7D6];
	_ =	sdelay $0x1  }
0x248: {  	s30 =	simm.s32 $0x6000  }
0x249: {  	[tilespmem:s30], [sflag:$0x1] =	stream.linear.gather [hbm4b:s29+s2], $0x80, $0x38;
	[tilespmem:$0xA080] =	vst v63  }
0x24a: {  	s29 =	sld [smem:$0x7D7];
	_ =	sdelay $0x1  }
0x24b: {  	s30 =	simm.s32 $0x6400  }
0x24c: {  	[tilespmem:s30], [sflag:$0x1] =	stream.linear.gather [hbm4b:s29+s2], $0x80, $0x38;
	[tilespmem:$0xA080] =	vst v63  }
0x24d: {  	s29 =	sld [smem:$0x7D8];
	_ =	sdelay $0x1  }
0x24e: {  	s30 =	simm.s32 $0x6800  }
0x24f: {  	[tilespmem:s30], [sflag:$0x1] =	stream.linear.gather [hbm4b:s29+s2], $0x80, $0x38;
	[tilespmem:$0xA080] =	vst v63  }
0x250: {  	s29 =	sld [smem:$0x7D9];
	_ =	sdelay $0x1  }
0x251: {  	s30 =	simm.s32 $0x6C00  }
0x252: {  	[tilespmem:s30], [sflag:$0x1] =	stream.linear.gather [hbm4b:s29+s2], $0x80, $0x38;
	[tilespmem:$0xA080] =	vst v63  }
0x253: {  	s29 =	sld [smem:$0x7DA];
	_ =	sdelay $0x1  }
0x254: {  	s30 =	simm.s32 $0x7000  }
0x255: {  	[tilespmem:s30], [sflag:$0x1] =	stream.linear.gather [hbm4b:s29+s2], $0x80, $0x38;
	[tilespmem:$0xA080] =	vst v63  }
0x256: {  	s29 =	sld [smem:$0x7DB];
	_ =	sdelay $0x1  }
0x257: {  	s30 =	simm.s32 $0x7400  }
0x258: {  	[tilespmem:s30], [sflag:$0x1] =	stream.linear.gather [hbm4b:s29+s2], $0x80, $0x38;
	[tilespmem:$0xA080] =	vst v63  }
0x259: {  	s29 =	sld [smem:$0x7DC];
	_ =	sdelay $0x1  }
0x25a: {  	s30 =	simm.s32 $0x7800  }
0x25b: {  	[tilespmem:s30], [sflag:$0x1] =	stream.linear.gather [hbm4b:s29+s2], $0x80, $0x38;
	[tilespmem:$0xA080] =	vst v63  }
0x25c: {  	s29 =	sld [smem:$0x7DD];
	_ =	sdelay $0x1  }
0x25d: {  	s30 =	simm.s32 $0x7C00  }
0x25e: {  	[tilespmem:s30], [sflag:$0x1] =	stream.linear.gather [hbm4b:s29+s2], $0x80, $0x38;
	[tilespmem:$0xA080] =	vst v63  }
0x25f: {  	s29 =	simm.s32 $0x4080  }
0x260: {  	[tilespmem:s29], [sflag:$0x1] =	stream.linear.gather [hbm4b:s12+s2], $0x80, $0x38;
	[tilespmem:$0xA080] =	vst v63  }
0x261: {  	s29 =	sld [smem:$0x7DE];
	_ =	sdelay $0x1  }
0x262: {  	s30 =	simm.s32 $0x4480  }
0x263: {  	[tilespmem:s30], [sflag:$0x1] =	stream.linear.gather [hbm4b:s29+s2], $0x80, $0x38;
	[tilespmem:$0xA080] =	vst v63  }
0x264: {  	s29 =	sld [smem:$0x7DF];
	_ =	sdelay $0x1  }
0x265: {  	s30 =	simm.s32 $0x4880  }
0x266: {  	[tilespmem:s30], [sflag:$0x1] =	stream.linear.gather [hbm4b:s29+s2], $0x80, $0x38;
	[tilespmem:$0xA080] =	vst v63  }
0x267: {  	s29 =	sld [smem:$0x7E0];
	_ =	sdelay $0x1  }
0x268: {  	s30 =	simm.s32 $0x4C80  }
0x269: {  	[tilespmem:s30], [sflag:$0x1] =	stream.linear.gather [hbm4b:s29+s2], $0x80, $0x38;
	[tilespmem:$0xA080] =	vst v63  }
0x26a: {  	s29 =	sld [smem:$0x7E1];
	_ =	sdelay $0x1  }
0x26b: {  	s30 =	simm.s32 $0x5080  }
0x26c: {  	[tilespmem:s30], [sflag:$0x1] =	stream.linear.gather [hbm4b:s29+s2], $0x80, $0x38;
	[tilespmem:$0xA080] =	vst v63  }
0x26d: {  	s29 =	sld [smem:$0x7E2];
	_ =	sdelay $0x1  }
0x26e: {  	s30 =	simm.s32 $0x5480  }
0x26f: {  	[tilespmem:s30], [sflag:$0x1] =	stream.linear.gather [hbm4b:s29+s2], $0x80, $0x38;
	[tilespmem:$0xA080] =	vst v63  }
0x270: {  	s29 =	sld [smem:$0x7E3];
	_ =	sdelay $0x1  }
0x271: {  	s30 =	simm.s32 $0x5880  }
0x272: {  	[tilespmem:s30], [sflag:$0x1] =	stream.linear.gather [hbm4b:s29+s2], $0x80, $0x38;
	[tilespmem:$0xA080] =	vst v63  }
0x273: {  	s29 =	sld [smem:$0x7E4];
	_ =	sdelay $0x1  }
0x274: {  	s30 =	simm.s32 $0x5C80  }
0x275: {  	[tilespmem:s30], [sflag:$0x1] =	stream.linear.gather [hbm4b:s29+s2], $0x80, $0x38;
	[tilespmem:$0xA080] =	vst v63  }
0x276: {  	s29 =	sld [smem:$0x7E5];
	_ =	sdelay $0x1  }
0x277: {  	s30 =	simm.s32 $0x6080  }
0x278: {  	[tilespmem:s30], [sflag:$0x1] =	stream.linear.gather [hbm4b:s29+s2], $0x80, $0x38;
	[tilespmem:$0xA080] =	vst v63  }
0x279: {  	s29 =	sld [smem:$0x7E6];
	_ =	sdelay $0x1  }
0x27a: {  	s30 =	simm.s32 $0x6480  }
0x27b: {  	[tilespmem:s30], [sflag:$0x1] =	stream.linear.gather [hbm4b:s29+s2], $0x80, $0x38;
	[tilespmem:$0xA080] =	vst v63  }
0x27c: {  	s29 =	sld [smem:$0x7E7];
	_ =	sdelay $0x1  }
0x27d: {  	s30 =	simm.s32 $0x6880  }
0x27e: {  	[tilespmem:s30], [sflag:$0x1] =	stream.linear.gather [hbm4b:s29+s2], $0x80, $0x38;
	[tilespmem:$0xA080] =	vst v63  }
0x27f: {  	s29 =	sld [smem:$0x7E8];
	_ =	sdelay $0x1  }
0x280: {  	s30 =	simm.s32 $0x6C80  }
0x281: {  	[tilespmem:s30], [sflag:$0x1] =	stream.linear.gather [hbm4b:s29+s2], $0x80, $0x38;
	[tilespmem:$0xA080] =	vst v63  }
0x282: {  	s29 =	sld [smem:$0x7E9];
	_ =	sdelay $0x1  }
0x283: {  	s30 =	simm.s32 $0x7080  }
0x284: {  	[tilespmem:s30], [sflag:$0x1] =	stream.linear.gather [hbm4b:s29+s2], $0x80, $0x38;
	[tilespmem:$0xA080] =	vst v63  }
0x285: {  	s29 =	sld [smem:$0x7EA];
	_ =	sdelay $0x1  }
0x286: {  	s30 =	simm.s32 $0x7480  }
0x287: {  	[tilespmem:s30], [sflag:$0x1] =	stream.linear.gather [hbm4b:s29+s2], $0x80, $0x38;
	[tilespmem:$0xA080] =	vst v63  }
0x288: {  	s29 =	sld [smem:$0x7EB];
	_ =	sdelay $0x1  }
0x289: {  	s30 =	simm.s32 $0x7880  }
0x28a: {  	[tilespmem:s30], [sflag:$0x1] =	stream.linear.gather [hbm4b:s29+s2], $0x80, $0x38;
	[tilespmem:$0xA080] =	vst v63  }
0x28b: {  	s29 =	sld [smem:$0x7EC];
	_ =	sdelay $0x1  }
0x28c: {  	s30 =	simm.s32 $0x7C80  }
0x28d: {  	[tilespmem:s30], [sflag:$0x1] =	stream.linear.gather [hbm4b:s29+s2], $0x80, $0x38;
	[tilespmem:$0xA080] =	vst v63  }
0x28e: {  	s29 =	simm.s32 $0x4100  }
0x28f: {  	[tilespmem:s29], [sflag:$0x1] =	stream.linear.gather [hbm4b:s13+s2], $0x80, $0x38;
	[tilespmem:$0xA080] =	vst v63  }
0x290: {  	s29 =	sld [smem:$0x7ED];
	_ =	sdelay $0x1  }
0x291: {  	s30 =	simm.s32 $0x4500  }
0x292: {  	[tilespmem:s30], [sflag:$0x1] =	stream.linear.gather [hbm4b:s29+s2], $0x80, $0x38;
	[tilespmem:$0xA080] =	vst v63  }
0x293: {  	s29 =	sld [smem:$0x7EE];
	_ =	sdelay $0x1  }
0x294: {  	s30 =	simm.s32 $0x4900  }
0x295: {  	[tilespmem:s30], [sflag:$0x1] =	stream.linear.gather [hbm4b:s29+s2], $0x80, $0x38;
	[tilespmem:$0xA080] =	vst v63  }
0x296: {  	s29 =	sld [smem:$0x7EF];
	_ =	sdelay $0x1  }
0x297: {  	s30 =	simm.s32 $0x4D00  }
0x298: {  	[tilespmem:s30], [sflag:$0x1] =	stream.linear.gather [hbm4b:s29+s2], $0x80, $0x38;
	[tilespmem:$0xA080] =	vst v63  }
0x299: {  	s29 =	sld [smem:$0x7F0];
	_ =	sdelay $0x1  }
0x29a: {  	s30 =	simm.s32 $0x5100  }
0x29b: {  	[tilespmem:s30], [sflag:$0x1] =	stream.linear.gather [hbm4b:s29+s2], $0x80, $0x38;
	[tilespmem:$0xA080] =	vst v63  }
0x29c: {  	s29 =	sld [smem:$0x7F1];
	_ =	sdelay $0x1  }
0x29d: {  	s30 =	simm.s32 $0x5500  }
0x29e: {  	[tilespmem:s30], [sflag:$0x1] =	stream.linear.gather [hbm4b:s29+s2], $0x80, $0x38;
	[tilespmem:$0xA080] =	vst v63  }
0x29f: {  	s29 =	sld [smem:$0x7F2];
	_ =	sdelay $0x1  }
0x2a0: {  	s30 =	simm.s32 $0x5900  }
0x2a1: {  	[tilespmem:s30], [sflag:$0x1] =	stream.linear.gather [hbm4b:s29+s2], $0x80, $0x38;
	[tilespmem:$0xA080] =	vst v63  }
0x2a2: {  	s29 =	sld [smem:$0x7F3];
	_ =	sdelay $0x1  }
0x2a3: {  	s30 =	simm.s32 $0x5D00  }
0x2a4: {  	[tilespmem:s30], [sflag:$0x1] =	stream.linear.gather [hbm4b:s29+s2], $0x80, $0x38;
	[tilespmem:$0xA080] =	vst v63  }
0x2a5: {  	s29 =	sld [smem:$0x7F4];
	_ =	sdelay $0x1  }
0x2a6: {  	s30 =	simm.s32 $0x6100  }
0x2a7: {  	[tilespmem:s30], [sflag:$0x1] =	stream.linear.gather [hbm4b:s29+s2], $0x80, $0x38;
	[tilespmem:$0xA080] =	vst v63  }
0x2a8: {  	s29 =	sld [smem:$0x7F5];
	_ =	sdelay $0x1  }
0x2a9: {  	s30 =	simm.s32 $0x6500  }
0x2aa: {  	[tilespmem:s30], [sflag:$0x1] =	stream.linear.gather [hbm4b:s29+s2], $0x80, $0x38;
	[tilespmem:$0xA080] =	vst v63  }
0x2ab: {  	s29 =	sld [smem:$0x7F6];
	_ =	sdelay $0x1  }
0x2ac: {  	s30 =	simm.s32 $0x6900  }
0x2ad: {  	[tilespmem:s30], [sflag:$0x1] =	stream.linear.gather [hbm4b:s29+s2], $0x80, $0x38;
	[tilespmem:$0xA080] =	vst v63  }
0x2ae: {  	s29 =	sld [smem:$0x7F7];
	_ =	sdelay $0x1  }
0x2af: {  	s30 =	simm.s32 $0x6D00  }
0x2b0: {  	[tilespmem:s30], [sflag:$0x1] =	stream.linear.gather [hbm4b:s29+s2], $0x80, $0x38;
	[tilespmem:$0xA080] =	vst v63  }
0x2b1: {  	s29 =	sld [smem:$0x7F8];
	_ =	sdelay $0x1  }
0x2b2: {  	s30 =	simm.s32 $0x7100  }
0x2b3: {  	[tilespmem:s30], [sflag:$0x1] =	stream.linear.gather [hbm4b:s29+s2], $0x80, $0x38;
	[tilespmem:$0xA080] =	vst v63  }
0x2b4: {  	s29 =	sld [smem:$0x7F9];
	_ =	sdelay $0x1  }
0x2b5: {  	s30 =	simm.s32 $0x7500  }
0x2b6: {  	[tilespmem:s30], [sflag:$0x1] =	stream.linear.gather [hbm4b:s29+s2], $0x80, $0x38;
	[tilespmem:$0xA080] =	vst v63  }
0x2b7: {  	s29 =	sld [smem:$0x7FA];
	_ =	sdelay $0x1  }
0x2b8: {  	s30 =	simm.s32 $0x7900  }
0x2b9: {  	[tilespmem:s30], [sflag:$0x1] =	stream.linear.gather [hbm4b:s29+s2], $0x80, $0x38;
	[tilespmem:$0xA080] =	vst v63  }
0x2ba: {  	s29 =	sld [smem:$0x7FB];
	_ =	sdelay $0x1  }
0x2bb: {  	s30 =	simm.s32 $0x7D00  }
0x2bc: {  	[tilespmem:s30], [sflag:$0x1] =	stream.linear.gather [hbm4b:s29+s2], $0x80, $0x38;
	[tilespmem:$0xA080] =	vst v63  }
0x2bd: {  	s29 =	simm.s32 $0x4180  }
0x2be: {  	[tilespmem:s29], [sflag:$0x1] =	stream.linear.gather [hbm4b:s14+s2], $0x80, $0x38;
	[tilespmem:$0xA080] =	vst v63  }
0x2bf: {  	s29 =	sld [smem:$0x7FC];
	_ =	sdelay $0x1  }
0x2c0: {  	s30 =	simm.s32 $0x4580  }
0x2c1: {  	[tilespmem:s30], [sflag:$0x1] =	stream.linear.gather [hbm4b:s29+s2], $0x80, $0x38;
	[tilespmem:$0xA080] =	vst v63  }
0x2c2: {  	s29 =	sld [smem:$0x7FD];
	_ =	sdelay $0x1  }
0x2c3: {  	s30 =	simm.s32 $0x4980  }
0x2c4: {  	[tilespmem:s30], [sflag:$0x1] =	stream.linear.gather [hbm4b:s29+s2], $0x80, $0x38;
	[tilespmem:$0xA080] =	vst v63  }
0x2c5: {  	s29 =	simm.s32 $0x4D80  }
0x2c6: {  	[tilespmem:s29], [sflag:$0x1] =	stream.linear.gather [hbm4b:s0+s2], $0x80, $0x38;
	[tilespmem:$0xA080] =	vst v63  }
0x2c7: {  	s29 =	simm.s32 $0x5180  }
0x2c8: {  	[tilespmem:s29], [sflag:$0x1] =	stream.linear.gather [hbm4b:s1+s2], $0x80, $0x38;
	[tilespmem:$0xA080] =	vst v63  }
0x2c9: {  	s29 =	simm.s32 $0x5580  }
0x2ca: {  	[tilespmem:s29], [sflag:$0x1] =	stream.linear.gather [hbm4b:s15+s2], $0x80, $0x38;
	[tilespmem:$0xA080] =	vst v63  }
0x2cb: {  	s29 =	simm.s32 $0x5980  }
0x2cc: {  	[tilespmem:s29], [sflag:$0x1] =	stream.linear.gather [hbm4b:s16+s2], $0x80, $0x38;
	[tilespmem:$0xA080] =	vst v63  }
0x2cd: {  	s29 =	simm.s32 $0x5D80  }
0x2ce: {  	[tilespmem:s29], [sflag:$0x1] =	stream.linear.gather [hbm4b:s17+s2], $0x80, $0x38;
	[tilespmem:$0xA080] =	vst v63  }
0x2cf: {  	s29 =	simm.s32 $0x6180  }
0x2d0: {  	[tilespmem:s29], [sflag:$0x1] =	stream.linear.gather [hbm4b:s18+s2], $0x80, $0x38;
	[tilespmem:$0xA080] =	vst v63  }
0x2d1: {  	s29 =	simm.s32 $0x6580  }
0x2d2: {  	[tilespmem:s29], [sflag:$0x1] =	stream.linear.gather [hbm4b:s19+s2], $0x80, $0x38;
	[tilespmem:$0xA080] =	vst v63  }
0x2d3: {  	s29 =	simm.s32 $0x6980  }
0x2d4: {  	[tilespmem:s29], [sflag:$0x1] =	stream.linear.gather [hbm4b:s20+s2], $0x80, $0x38;
	[tilespmem:$0xA080] =	vst v63  }
0x2d5: {  	s29 =	simm.s32 $0x6D80  }
0x2d6: {  	[tilespmem:s29], [sflag:$0x1] =	stream.linear.gather [hbm4b:s21+s2], $0x80, $0x38;
	[tilespmem:$0xA080] =	vst v63  }
0x2d7: {  	s29 =	simm.s32 $0x7180  }
0x2d8: {  	[tilespmem:s29], [sflag:$0x1] =	stream.linear.gather [hbm4b:s22+s2], $0x80, $0x38;
	[tilespmem:$0xA080] =	vst v63  }
0x2d9: {  	s29 =	simm.s32 $0x7580  }
0x2da: {  	[tilespmem:s29], [sflag:$0x1] =	stream.linear.gather [hbm4b:s23+s2], $0x80, $0x38;
	[tilespmem:$0xA080] =	vst v63  }
0x2db: {  	s29 =	simm.s32 $0x7980  }
0x2dc: {  	[tilespmem:s29], [sflag:$0x1] =	stream.linear.gather [hbm4b:s24+s2], $0x80, $0x38;
	[tilespmem:$0xA080] =	vst v63  }
0x2dd: {  	s29 =	simm.s32 $0x7D80  }
0x2de: {  	[tilespmem:s29], [sflag:$0x1] =	stream.linear.gather [hbm4b:s25+s2], $0x80, $0x38;
	[tilespmem:$0xA080] =	vst v63  }
0x2df: {  	s30 =	rddreg [dreg:$0x9];
	s29 =	simm.s32 $0x8000  }
0x2e0: {  	[tilespmem:s29], [sflag:$0x1] =	stream.linear.gather [hbm4b:s30+s2], $0x800, $0x38;
	[tilespmem:$0xA080] =	vst v63  }
0x2e1: {  	s31 =	simm.s32 $0x8800;
	s30 =	rddreg [dreg:$0xa]  }
0x2e2: {  	[tilespmem:s31], [sflag:$0x1] =	stream.linear.gather [hbm4b:s30+s2], $0x800, $0x38;
	[tilespmem:$0xA080] =	vst v63  }
0x2e3: {  	s30 =	rddreg [dreg:$0xb];
	s31 =	simm.s32 $0x9000  }
0x2e4: {  	[tilespmem:s31], [sflag:$0x1] =	stream.linear.gather [hbm4b:s30+s2], $0x800, $0x38;
	[tilespmem:$0xA080] =	vst v63  }
0x2e5: {  	s30 =	rddreg [dreg:$0xc];
	s31 =	simm.s32 $0x9800  }
0x2e6: {  	[tilespmem:s31], [sflag:$0x1] =	stream.linear.gather [hbm4b:s30+s2], $0x800, $0x38;
	[tilespmem:$0xA080] =	vst v63  }
0x2e7: {  	_ =	swait.ge [sflag:s26], $0x800  }
0x2e8: {  	[sflag:s26] =	ssyncset.done $0x0  }
0x2e9: {  	[sflag:s26] =	ssyncadd.s32 $0xFFFFF800  }
0x2ea: {  	_ =	swait.ge [sflag:s26], $0x800  }
0x2eb: {  	[sflag:s26] =	ssyncset.done $0x0  }
0x2ec: {  	[sflag:s26] =	ssyncadd.s32 $0xFFFFF800  }
0x2ed: {  	_ =	swait.ge [sflag:s26], $0x800  }
0x2ee: {  	[sflag:s26] =	ssyncset.done $0x0  }
0x2ef: {  	[sflag:s26] =	ssyncadd.s32 $0xFFFFF800  }
0x2f0: {  	_ =	swait.ge [sflag:s26], $0x800  }
0x2f1: {  	[sflag:s26] =	ssyncset.done $0x0  }
0x2f2: {  	[sflag:s26] =	ssyncadd.s32 $0xFFFFF800  }
0x2f3: {  	_ =	swait.ge [sflag:s26], $0x800  }
0x2f4: {  	[sflag:s26] =	ssyncset.done $0x0  }
0x2f5: {  	[sflag:s26] =	ssyncadd.s32 $0xFFFFF800  }
0x2f6: {  	_ =	swait.ge [sflag:s26], $0x800  }
0x2f7: {  	[sflag:s26] =	ssyncset.done $0x0  }
0x2f8: {  	[sflag:s26] =	ssyncadd.s32 $0xFFFFF800  }
0x2f9: {  	_ =	swait.ge [sflag:s26], $0x800  }
0x2fa: {  	[sflag:s26] =	ssyncset.done $0x0  }
0x2fb: {  	[sflag:s26] =	ssyncadd.s32 $0xFFFFF800  }
0x2fc: {  	_ =	swait.ge [sflag:s26], $0x800  }
0x2fd: {  	[sflag:s26] =	ssyncset.done $0x0  }
0x2fe: {  	[sflag:s26] =	ssyncadd.s32 $0xFFFFF800  }
0x2ff: {  	_ =	swait.ge [sflag:s26], $0x800  }
0x300: {  	[sflag:s26] =	ssyncset.done $0x0  }
0x301: {  	[sflag:s26] =	ssyncadd.s32 $0xFFFFF800  }
0x302: {  	_ =	swait.ge [sflag:s26], $0x800  }
0x303: {  	[sflag:s26] =	ssyncset.done $0x0  }
0x304: {  	[sflag:s26] =	ssyncadd.s32 $0xFFFFF800  }
0x305: {  	_ =	swait.ge [sflag:s26], $0x800  }
0x306: {  	[sflag:s26] =	ssyncset.done $0x0  }
0x307: {  	[sflag:s26] =	ssyncadd.s32 $0xFFFFF800  }
0x308: {  	_ =	swait.ge [sflag:s26], $0x800  }
0x309: {  	[sflag:s26] =	ssyncset.done $0x0  }
0x30a: {  	[sflag:s26] =	ssyncadd.s32 $0xFFFFF800  }
0x30b: {  	_ =	swait.ge [sflag:s26], $0x800  }
0x30c: {  	[sflag:s26] =	ssyncset.done $0x0  }
0x30d: {  	[sflag:s26] =	ssyncadd.s32 $0xFFFFF800  }
0x30e: {  	_ =	swait.ge [sflag:s26], $0x800  }
0x30f: {  	[sflag:s26] =	ssyncset.done $0x0  }
0x310: {  	[sflag:s26] =	ssyncadd.s32 $0xFFFFF800  }
0x311: {  	_ =	swait.ge [sflag:s26], $0x800  }
0x312: {  	[sflag:s26] =	ssyncset.done $0x0  }
0x313: {  	[sflag:s26] =	ssyncadd.s32 $0xFFFFF800  }
0x314: {  	_ =	swait.ge [sflag:s26], $0x800  }
0x315: {  	[sflag:s26] =	ssyncset.done $0x0  }
0x316: {  	s30 =	sand.u32 $0x7F0, s2;
	[sflag:s26] =	ssyncadd.s32 $0xFFFFF800  }
0x317: {  	v2 =	vld [tilespmem:s30+$0x8800];
	_ =	sdelay $0x4  }
0x318: {  	v5 =	vmul.f32 $-5.000000000e+01, v2;
	_ =	sdelay $0x1  }
0x319: {  	v4 =	vand.u32 $0x7FFFFFFF, v5  }
0x31a: {  	v4 =	vsub.f32 $0.0e+00, v4;
	_ =	sdelay $0x1  }
0x31b: {  	v3 =	vor.u32 s2, v0;
	v2 =	vmov s2;
	v4 =	vmul.f32 $1.442695020e+00, v4  }
0x31c: {  	v3 =	vand.u32 $0x7F, v3;
	v2 =	vshll.u32 v2, $0x3  }
0x31d: {  	v6 =	vand.u32 $0x3C00, v2;
	v2 =	vor.u32 v3, v2;
	(erf) = vpow2.f32 v4  }
0x31e: {  	v7 =	vor.u32 v3, v6;
	v2 =	vor.u32 $0x380, v2  }
0x31f: {  	v6 =	vor.u32 $0x4080, v7  }
0x320: {  	v8 =	vld [tilespmem:s30+$0x9000];
	v3 =	vor.u32 $0x300, v7  }
0x321: {  	v10 =	vld [tilespmem:s30+$0x9800];
	v4 =	vor.u32 $0x4100, v7  }
0x322: {  	v9 =	vor.u32 $0x4180, v7  }
0x323: {  	v11 =	vor.u32 $0x4000, v7;
	v2 =	vld.idx.msk [tilespmem:v2+s2+$0x0], $0xffff  }
0x324: {  	v6 =	vld.idx.msk [tilespmem:v6+s2+$0x0], $0xffff  }
0x325: {  	v3 =	vld.idx.msk [tilespmem:v3+s2+$0x0], $0xffff  }
0x326: {  	vm0 =	vlt.f32 v8, $0.0e+00;
	vm1 =	vlt.f32 v10, $0.0e+00;
	v4 =	vld.idx.msk [tilespmem:v4+s2+$0x0], $0xffff;
	v12 =	vpop (erf)  }
0x327: {  	s30 =	simm.s32 $0x10;
	v8 =	vxor.u32 $0x80000000, v8;
	vm0 =	vmand vm0, vm1;
	v9 =	vld.idx.msk [tilespmem:v9+s2+$0x0], $0xffff;
	v10 =	vadd.f32 $2.000000000e+00, v12  }
0x328: {  	v14 =	vmov s30;
	v8 =	vmax.f32 v8, $0.0e+00;
	v13 =	vsel vm0, $0x3F800000, v1;
	v11 =	vld.idx.msk [tilespmem:v11+s2+$0x0], $0xffff  }
0x329: {  	v14 =	vshll.u32 v14, $0x3;
	v8 =	vmul.f32 v13, v8;
	(erf) = vrcp.f32 v10  }
0x32a: {  	v15 =	vand.u32 $0x3C00, v14;
	v2 =	vmul.f32 v2, v2;
	v6 =	vmul.f32 v6, v6  }
0x32b: {  	v19 =	vor.u32 $0x100, v7;
	v3 =	vmul.f32 v3, v3;
	v4 =	vmul.f32 v4, v4  }
0x32c: {  	v21 =	vor.u32 $0x280, v7;
	v23 =	vor.u32 $0x180, v7;
	v9 =	vmul.f32 v9, v9  }
0x32d: {  	v11 =	vmul.f32 v11, v11;
	v2 =	vadd.f32 v2, v3;
	v4 =	vadd.f32 v4, v6  }
0x32e: {  	v24 =	vor.u32 $0x80, v7;
	v3 =	vsub.f32 $1.000000000e+00, v13;
	v10 =	vor.u32 s30, v0  }
0x32f: {  	s30 =	sand.u32 $0x7F0, s30;
	v10 =	vand.u32 $0x7F, v10;
	v9 =	vadd.f32 v9, v4;
	v4 =	vadd.f32 v11, v2  }
0x330: {  	v6 =	vor.u32 v10, v15;
	v11 =	vadd.f32 v13, v1;
	v10 =	vor.u32 v10, v14;
	v14 =	vld [tilespmem:s30+$0x9800]  }
0x331: {  	v17 =	vld [tilespmem:s30+$0x8800];
	v15 =	vor.u32 $0x4080, v6;
	v2 =	vmul.f32 v9, v3;
	v3 =	vmax.f32 v4, $1.000000000e-30  }
0x332: {  	v22 =	vld [tilespmem:s30+$0x9000];
	v16 =	vor.u32 $0x4100, v6;
	v18 =	vshra.s32 v3, $0x1;
	v3 =	vmul.f32 $5.000000000e-01, v3;
	v20 =	vpop (erf)  }
0x333: {  	v13 =	vld.idx.msk [tilespmem:v7+s2+$0x0], $0xffff;
	v7 =	vor.u32 $0x200, v7;
	v18 =	vsub.s32 $0x5F3759DF, v18;
	v12 =	vmul.f32 v20, v12  }
0x334: {  	v23 =	vld.idx.msk [tilespmem:v23+s2+$0x0], $0xffff;
	v20 =	vadd.f32 v2, v1;
	v2 =	vmul.f32 v18, v3  }
0x335: {  	v9 =	vor.u32 $0x4180, v6;
	vm13 =	vlt.f32 v14, $0.0e+00;
	v14 =	vld.idx.msk [tilespmem:v24+s2+$0x0], $0xffff;
	v25 =	vmul.f32 v12, v12  }
0x336: {  	v10 =	vor.u32 $0x380, v10;
	v15 =	vld.idx.msk [tilespmem:v15+s2+$0x0], $0xffff;
	v26 =	vmul.f32 v18, v2;
	v2 =	vmul.f32 $-5.000000000e+01, v17  }
0x337: {  	v16 =	vld.idx.msk [tilespmem:v16+s2+$0x0], $0xffff;
	v27 =	vmul.f32 $1.111111120e-01, v25  }
0x338: {  	v8 =	vadd.f32 v8, v1;
	vm12 =	vlt.f32 v22, $0.0e+00;
	v7 =	vld.idx.msk [tilespmem:v7+s2+$0x0], $0xffff;
	v28 =	vand.u32 $0x7FFFFFFF, v2  }
0x339: {  	v19 =	vld.idx.msk [tilespmem:v19+s2+$0x0], $0xffff;
	v22 =	vxor.u32 $0x80000000, v22;
	v28 =	vsub.f32 $0.0e+00, v28;
	v27 =	vadd.f32 $1.428571490e-01, v27  }
0x33a: {  	v29 =	vor.u32 $0x180, v6;
	v31 =	vor.u32 $0x80, v6;
	v22 =	vmax.f32 v22, $0.0e+00;
	v9 =	vld.idx.msk [tilespmem:v9+s2+$0x0], $0xffff  }
0x33b: {  	v10 =	vld.idx.msk [tilespmem:v10+s2+$0x0], $0xffff;
	v17 =	vor.u32 $0x300, v6;
	v24 =	vmul.f32 v27, v25;
	v27 =	vmul.f32 $1.442695020e+00, v28  }
0x33c: {  	v21 =	vld.idx.msk [tilespmem:v21+s2+$0x0], $0xffff;
	v13 =	vsub.f32 v13, v23;
	v15 =	vmul.f32 v15, v15;
	v16 =	vmul.f32 v16, v16  }
0x33d: {  	vm0 =	vmand vm12, vm13;
	v7 =	vsub.f32 v14, v7;
	(erf) = vpow2.f32 v27  }
0x33e: {  	v13 =	vand.u32 $0x7FFFFFFF, v13;
	v12 =	vadd.f32 v12, v12;
	v15 =	vadd.f32 v16, v15;
	v16 =	vld [tilespmem:s29+$0x0]  }
0x33f: {  	v26 =	vsub.f32 $1.500000000e+00, v26;
	v9 =	vmul.f32 v9, v9;
	v7 =	vand.u32 $0x7FFFFFFF, v7  }
0x340: {  	v10 =	vmul.f32 v10, v10;
	v7 =	vadd.f32 v7, v13;
	v17 =	vld.idx.msk [tilespmem:v17+s2+$0x0], $0xffff;
	v24 =	vadd.f32 $2.000000030e-01, v24  }
0x341: {  	v9 =	vadd.f32 v9, v15;
	v15 =	vsub.f32 v19, v21;
	v28 =	vsel vm0, $0x3F800000, v1  }
0x342: {  	v21 =	vor.u32 $0x4000, v6;
	v22 =	vmul.f32 v28, v22;
	v19 =	vmul.f32 v24, v25  }
0x343: {  	v13 =	vand.u32 $0x7FFFFFFF, v15;
	v27 =	vsub.f32 $1.000000000e+00, v28;
	vm14 =	vge.f32 v16, $2.000000000e+00  }
0x344: {  	vm15 =	vge.f32 v16, $3.000000000e+00;
	v14 =	vadd.f32 $3.333333430e-01, v19;
	v19 =	vsel vm14, $0x40000000, v1  }
0x345: {  	v13 =	vadd.f32 v13, v7;
	v17 =	vmul.f32 v17, v17;
	v19 =	vsub.f32 v16, v19  }
0x346: {  	v8 =	vadd.f32 v22, v8;
	v9 =	vmul.f32 v9, v27;
	v14 =	vmul.f32 v14, v25;
	v16 =	vpop (erf)  }
0x347: {  	v10 =	vadd.f32 v10, v17;
	v15 =	vmul.f32 v5, v19;
	v19 =	vld.idx.msk [tilespmem:v21+s2+$0x0], $0xffff;
	v7 =	vadd.f32 $2.000000000e+00, v16  }
0x348: {  	s29 =	simm.s32 $0x20;
	v5 =	vmax.f32 v5, $0.0e+00;
	v21 =	vsel vm15, $0x3F800000, v1;
	v14 =	vadd.f32 $1.000000000e+00, v14  }
0x349: {  	v5 =	vsub.f32 v5, v15;
	v15 =	vmov s29;
	(erf) = vrcp.f32 v7  }
0x34a: {  	v12 =	vmul.f32 v14, v12;
	v14 =	vor.u32 s29, v0;
	v15 =	vshll.u32 v15, $0x3  }
0x34b: {  	v22 =	vsub.f32 $1.000000000e+00, v21;
	v14 =	vand.u32 $0x7F, v14;
	v7 =	vand.u32 $0x3C00, v15  }
0x34c: {  	v5 =	vadd.f32 v12, v5;
	v19 =	vmul.f32 v19, v19;
	v7 =	vor.u32 v14, v7  }
0x34d: {  	v18 =	vmul.f32 v18, v26;
	v17 =	vadd.f32 v9, v20;
	v12 =	vor.u32 $0x4080, v7  }
0x34e: {  	s29 =	sand.u32 $0x7F0, s29;
	v5 =	vmul.f32 v5, v22;
	v20 =	vor.u32 $0x4100, v7;
	v9 =	vadd.f32 v19, v10  }
0x34f: {  	v33 =	vor.u32 $0x200, v6;
	v23 =	vor.u32 $0x100, v6;
	v25 =	vmul.f32 v18, v3;
	v24 =	vld [tilespmem:s29+$0x8800]  }
0x350: {  	v29 =	vld.idx.msk [tilespmem:v29+s2+$0x0], $0xffff;
	v10 =	vor.u32 v14, v15;
	v14 =	vadd.f32 v5, v1;
	v5 =	vmax.f32 v9, $1.000000000e-30  }
0x351: {  	v13 =	vmul.f32 v13, v21;
	v30 =	vld [tilespmem:s29+$0x9800];
	v22 =	vshra.s32 v5, $0x1;
	v5 =	vmul.f32 $5.000000000e-01, v5  }
0x352: {  	v25 =	vmul.f32 v25, v18;
	v21 =	vor.u32 $0x4180, v7;
	v22 =	vsub.s32 $0x5F3759DF, v22;
	v12 =	vld.idx.msk [tilespmem:v12+s2+$0x0], $0xffff;
	v26 =	vpop (erf)  }
0x353: {  	v11 =	vadd.f32 v28, v11;
	v20 =	vld.idx.msk [tilespmem:v20+s2+$0x0], $0xffff;
	v28 =	vmul.f32 v22, v5;
	v16 =	vmul.f32 v26, v16  }
0x354: {  	v27 =	vor.u32 $0x280, v6;
	v25 =	vsub.f32 $1.500000000e+00, v25;
	v19 =	vld.idx.msk [tilespmem:v6+s2+$0x0], $0xffff;
	v6 =	vmul.f32 $-5.000000000e+01, v24  }
0x355: {  	v28 =	vmul.f32 v22, v28;
	v26 =	vld [tilespmem:s29+$0x9000];
	v32 =	vmul.f32 v16, v16  }
0x356: {  	v23 =	vld.idx.msk [tilespmem:v23+s2+$0x0], $0xffff;
	v13 =	vadd.f32 v13, v1;
	v18 =	vmul.f32 v25, v18;
	vm5 =	vlt.f32 v30, $0.0e+00  }
0x357: {  	v35 =	vand.u32 $0x7FFFFFFF, v6;
	v21 =	vld.idx.msk [tilespmem:v21+s2+$0x0], $0xffff;
	v24 =	vsub.f32 $1.500000000e+00, v28;
	v28 =	vmul.f32 $1.111111120e-01, v32  }
0x358: {  	v30 =	vld.idx.msk [tilespmem:v31+s2+$0x0], $0xffff;
	v31 =	vsub.f32 $0.0e+00, v35;
	v12 =	vmul.f32 v12, v12;
	v20 =	vmul.f32 v20, v20  }
0x359: {  	v27 =	vld.idx.msk [tilespmem:v27+s2+$0x0], $0xffff;
	v15 =	vor.u32 $0x300, v7;
	v10 =	vor.u32 $0x380, v10;
	v28 =	vadd.f32 $1.428571490e-01, v28  }
0x35a: {  	v33 =	vld.idx.msk [tilespmem:v33+s2+$0x0], $0xffff;
	v31 =	vmul.f32 $1.442695020e+00, v31;
	s29 =	simm.s32 $0x8010;
	v12 =	vadd.f32 v20, v12;
	vm4 =	vlt.f32 v26, $0.0e+00  }
0x35b: {  	v36 =	vld [tilespmem:s29+$0x0];
	v26 =	vxor.u32 $0x80000000, v26;
	vm0 =	vmand vm4, vm5;
	v28 =	vmul.f32 v28, v32  }
0x35c: {  	v20 =	vmul.f32 v21, v21;
	v26 =	vmax.f32 v26, $0.0e+00;
	v40 =	vsel vm0, $0x3F800000, v1  }
0x35d: {  	v34 =	vor.u32 $0x4000, v7;
	v26 =	vmul.f32 v40, v26;
	v28 =	vadd.f32 $2.000000030e-01, v28  }
0x35e: {  	(erf) = vpow2.f32 v31;
	v12 =	vadd.f32 v20, v12;
	v20 =	vsub.f32 v23, v27  }
0x35f: {  	v21 =	vsub.f32 $1.000000000e+00, v40;
	v25 =	vadd.f32 v26, v8;
	v23 =	vmul.f32 v28, v32  }
0x360: {  	v15 =	vld.idx.msk [tilespmem:v15+s2+$0x0], $0xffff;
	vm6 =	vge.f32 v36, $2.000000000e+00;
	v8 =	vsub.f32 v19, v29;
	v19 =	vsub.f32 v30, v33  }
0x361: {  	v10 =	vld.idx.msk [tilespmem:v10+s2+$0x0], $0xffff;
	v12 =	vmul.f32 v12, v21;
	v21 =	vadd.f32 $3.333333430e-01, v23;
	v23 =	vsel vm6, $0x40000000, v1  }
0x362: {  	v3 =	vmul.f32 v18, v3;
	v41 =	vor.u32 $0x280, v7;
	v23 =	vsub.f32 v36, v23  }
0x363: {  	v42 =	vor.u32 $0x180, v7;
	v8 =	vand.u32 $0x7FFFFFFF, v8;
	v19 =	vand.u32 $0x7FFFFFFF, v19  }
0x364: {  	v8 =	vadd.f32 v19, v8;
	v19 =	vand.u32 $0x7FFFFFFF, v20;
	v20 =	vmul.f32 v2, v23  }
0x365: {  	v44 =	vor.u32 $0x80, v7;
	v3 =	vmul.f32 v3, v18;
	v21 =	vmul.f32 v21, v32  }
0x366: {  	v15 =	vmul.f32 v15, v15;
	v16 =	vadd.f32 v16, v16;
	v10 =	vmul.f32 v10, v10  }
0x367: {  	v22 =	vmul.f32 v22, v24;
	v2 =	vmax.f32 v2, $0.0e+00;
	v21 =	vadd.f32 $1.000000000e+00, v21  }
0x368: {  	s29 =	simm.s32 $0x30;
	v15 =	vadd.f32 v10, v15;
	vm7 =	vge.f32 v36, $3.000000000e+00;
	v23 =	vld.idx.msk [tilespmem:v34+s2+$0x0], $0xffff;
	v2 =	vsub.f32 v2, v20;
	v20 =	vpop (erf)  }
0x369: {  	v26 =	vmov s29;
	v16 =	vmul.f32 v21, v16;
	v21 =	vadd.f32 $2.000000000e+00, v20  }
0x36a: {  	v27 =	vor.u32 s29, v0;
	v26 =	vshll.u32 v26, $0x3;
	v8 =	vadd.f32 v19, v8  }
0x36b: {  	v12 =	vadd.f32 v12, v17;
	v19 =	vsel vm7, $0x3F800000, v1;
	(erf) = vrcp.f32 v21  }
0x36c: {  	v8 =	vmul.f32 v8, v19;
	v19 =	vsub.f32 $1.000000000e+00, v19;
	v2 =	vadd.f32 v16, v2  }
0x36d: {  	v24 =	vld.idx.msk [tilespmem:v7+s2+$0x0], $0xffff;
	v28 =	vor.u32 $0x100, v7;
	v7 =	vor.u32 $0x200, v7;
	v23 =	vmul.f32 v23, v23  }
0x36e: {  	v16 =	vand.u32 $0x7F, v27;
	v21 =	vand.u32 $0x3C00, v26;
	v17 =	vmul.f32 v2, v19  }
0x36f: {  	v13 =	vadd.f32 v8, v13;
	v2 =	vadd.f32 v23, v15;
	v10 =	vor.u32 v16, v21  }
0x370: {  	v8 =	vor.u32 v16, v26;
	v19 =	vor.u32 $0x4080, v10;
	v14 =	vadd.f32 v17, v14  }
0x371: {  	v48 =	vld.idx.msk [tilespmem:v44+s2+$0x0], $0xffff;
	s29 =	sand.u32 $0x7F0, s29;
	v17 =	vor.u32 $0x380, v8;
	v8 =	vmax.f32 v2, $1.000000000e-30;
	v23 =	vor.u32 $0x4100, v10  }
0x372: {  	v30 =	vld [tilespmem:s29+$0x8800];
	v27 =	vor.u32 $0x4180, v10;
	v26 =	vshra.s32 v8, $0x1;
	v15 =	vmul.f32 $5.000000000e-01, v8  }
0x373: {  	v43 =	vld [tilespmem:s29+$0x9800];
	v8 =	vmul.f32 v22, v5;
	v26 =	vsub.s32 $0x5F3759DF, v26  }
0x374: {  	v3 =	vsub.f32 $1.500000000e+00, v3;
	v7 =	vld.idx.msk [tilespmem:v7+s2+$0x0], $0xffff;
	v31 =	vmul.f32 v26, v15;
	v29 =	vpop (erf)  }
0x375: {  	v8 =	vmul.f32 v8, v22;
	v19 =	vld.idx.msk [tilespmem:v19+s2+$0x0], $0xffff;
	v20 =	vmul.f32 v29, v20  }
0x376: {  	v18 =	vmul.f32 v3, v18;
	v23 =	vld.idx.msk [tilespmem:v23+s2+$0x0], $0xffff;
	v31 =	vmul.f32 v26, v31  }
0x377: {  	v37 =	vsub.f32 $1.500000000e+00, v8;
	v3 =	vld.idx.msk [tilespmem:v27+s2+$0x0], $0xffff;
	v8 =	vmul.f32 $-5.000000000e+01, v30;
	v45 =	vmul.f32 v20, v20  }
0x378: {  	v29 =	vld [tilespmem:s29+$0x9000]  }
0x379: {  	v27 =	vsub.f32 $1.500000000e+00, v31;
	v47 =	vand.u32 $0x7FFFFFFF, v8;
	v31 =	vmul.f32 $1.111111120e-01, v45  }
0x37a: {  	v11 =	vadd.f32 v40, v11;
	vm9 =	vlt.f32 v43, $0.0e+00;
	v33 =	vsub.f32 $0.0e+00, v47  }
0x37b: {  	v28 =	vld.idx.msk [tilespmem:v28+s2+$0x0], $0xffff;
	v7 =	vsub.f32 v48, v7;
	v19 =	vmul.f32 v19, v19;
	v31 =	vadd.f32 $1.428571490e-01, v31  }
0x37c: {  	v16 =	vor.u32 $0x300, v10;
	v30 =	vld.idx.msk [tilespmem:v41+s2+$0x0], $0xffff;
	v23 =	vmul.f32 v23, v23;
	v33 =	vmul.f32 $1.442695020e+00, v33  }
0x37d: {  	v46 =	vld.idx.msk [tilespmem:v42+s2+$0x0], $0xffff;
	v3 =	vmul.f32 v3, v3;
	vm8 =	vlt.f32 v29, $0.0e+00;
	v31 =	vmul.f32 v31, v45  }
0x37e: {  	s29 =	simm.s32 $0x8020;
	v19 =	vadd.f32 v23, v19;
	(erf) = vpow2.f32 v33;
	vm0 =	vmand vm8, vm9  }
0x37f: {  	v23 =	vld [tilespmem:s29+$0x0];
	v29 =	vxor.u32 $0x80000000, v29;
	v49 =	vsel vm0, $0x3F800000, v1;
	v31 =	vadd.f32 $2.000000030e-01, v31  }
0x380: {  	v29 =	vmax.f32 v29, $0.0e+00;
	v3 =	vadd.f32 v3, v19;
	v50 =	vsub.f32 $1.000000000e+00, v49  }
0x381: {  	v19 =	vadd.f32 v49, v11;
	v11 =	vsub.f32 v28, v30;
	v28 =	vmul.f32 v31, v45  }
0x382: {  	v24 =	vsub.f32 v24, v46;
	v29 =	vmul.f32 v49, v29;
	v3 =	vmul.f32 v3, v50  }
0x383: {  	v7 =	vand.u32 $0x7FFFFFFF, v7;
	v21 =	vor.u32 $0x4000, v10;
	v28 =	vadd.f32 $3.333333430e-01, v28  }
0x384: {  	v16 =	vld.idx.msk [tilespmem:v16+s2+$0x0], $0xffff;
	vm10 =	vge.f32 v23, $2.000000000e+00;
	v25 =	vadd.f32 v29, v25;
	v29 =	vadd.f32 v3, v12  }
0x385: {  	v3 =	vsel vm10, $0x40000000, v1;
	v12 =	vand.u32 $0x7FFFFFFF, v24;
	v24 =	vmul.f32 v28, v45  }
0x386: {  	v22 =	vmul.f32 v37, v22;
	v3 =	vsub.f32 v23, v3;
	v7 =	vadd.f32 v7, v12  }
0x387: {  	v17 =	vld.idx.msk [tilespmem:v17+s2+$0x0], $0xffff;
	v12 =	vadd.f32 v20, v20;
	v20 =	vadd.f32 $1.000000000e+00, v24  }
0x388: {  	v4 =	vmul.f32 v18, v4;
	v54 =	vor.u32 $0x180, v10;
	v5 =	vmul.f32 v22, v5  }
0x389: {  	v16 =	vmul.f32 v16, v16;
	s29 =	simm.s32 $0x40;
	vm11 =	vge.f32 v23, $3.000000000e+00;
	v3 =	vmul.f32 v6, v3  }
0x38a: {  	v21 =	vld.idx.msk [tilespmem:v21+s2+$0x0], $0xffff;
	v11 =	vand.u32 $0x7FFFFFFF, v11;
	v23 =	vor.u32 s29, v0;
	v6 =	vmax.f32 v6, $0.0e+00  }
0x38b: {  	v7 =	vadd.f32 v11, v7;
	v3 =	vsub.f32 v6, v3;
	v6 =	vmul.f32 v20, v12;
	v20 =	vpop (erf)  }
0x38c: {  	v11 =	vsel vm11, $0x3F800000, v1;
	v12 =	vmul.f32 v17, v17;
	v17 =	vadd.f32 $2.000000000e+00, v20  }
0x38d: {  	v7 =	vmul.f32 v7, v11;
	v3 =	vadd.f32 v6, v3;
	v6 =	vmov s29  }
0x38e: {  	v11 =	vsub.f32 $1.000000000e+00, v11;
	v6 =	vshll.u32 v6, $0x3;
	(erf) = vrcp.f32 v17  }
0x38f: {  	v17 =	vmul.f32 v21, v21;
	v21 =	vand.u32 $0x7F, v23;
	v23 =	vand.u32 $0x3C00, v6  }
0x390: {  	v3 =	vmul.f32 v3, v11;
	v11 =	vadd.f32 v12, v16;
	v12 =	vor.u32 v21, v23  }
0x391: {  	v5 =	vmul.f32 v5, v22;
	v6 =	vor.u32 v21, v6;
	v16 =	vor.u32 $0x4080, v12  }
0x392: {  	v18 =	vld.idx.msk [tilespmem:v10+s2+$0x0], $0xffff;
	v21 =	vadd.f32 v3, v14;
	v14 =	vor.u32 $0x4100, v12;
	v3 =	vadd.f32 v17, v11  }
0x393: {  	v58 =	vld.idx.msk [tilespmem:v54+s2+$0x0], $0xffff;
	s29 =	sand.u32 $0x7F0, s29;
	v23 =	vor.u32 $0x380, v6;
	v6 =	vmul.f32 v26, v27;
	v27 =	vor.u32 $0x4180, v12  }
0x394: {  	v5 =	vsub.f32 $1.500000000e+00, v5;
	v13 =	vadd.f32 v7, v13;
	v51 =	vld [tilespmem:s29+$0x8800];
	v17 =	vor.u32 $0x300, v12  }
0x395: {  	v53 =	vld [tilespmem:s29+$0x9000];
	v24 =	vor.u32 $0x4000, v12;
	v7 =	vmax.f32 v3, $1.000000000e-30;
	v26 =	vmul.f32 v6, v15  }
0x396: {  	v22 =	vmul.f32 v5, v22;
	v11 =	vshra.s32 v7, $0x1;
	v7 =	vmul.f32 $5.000000000e-01, v7;
	v16 =	vld.idx.msk [tilespmem:v16+s2+$0x0], $0xffff  }
0x397: {  	v28 =	vsub.s32 $0x5F3759DF, v11;
	v11 =	vor.u32 $0x100, v10;
	v26 =	vmul.f32 v26, v6;
	v30 =	vld.idx.msk [tilespmem:v14+s2+$0x0], $0xffff;
	v14 =	vpop (erf)  }
0x398: {  	v52 =	vor.u32 $0x280, v10;
	v31 =	vmul.f32 v28, v7;
	v5 =	vld.idx.msk [tilespmem:v27+s2+$0x0], $0xffff;
	v20 =	vmul.f32 v14, v20  }
0x399: {  	v55 =	vor.u32 $0x80, v10;
	v18 =	vsub.f32 v18, v58;
	v17 =	vld.idx.msk [tilespmem:v17+s2+$0x0], $0xffff;
	v14 =	vsub.f32 $1.500000000e+00, v26  }
0x39a: {  	v10 =	vor.u32 $0x200, v10;
	v24 =	vld.idx.msk [tilespmem:v24+s2+$0x0], $0xffff;
	v26 =	vmul.f32 v28, v31;
	v56 =	vmul.f32 v20, v20  }
0x39b: {  	v38 =	vadd.f32 $-1.000000000e+00, v4;
	v31 =	vld [tilespmem:s29+$0x9800];
	v14 =	vmul.f32 v14, v6;
	v6 =	vmul.f32 v16, v16  }
0x39c: {  	v18 =	vand.u32 $0x7FFFFFFF, v18;
	v16 =	vld.idx.msk [tilespmem:v11+s2+$0x0], $0xffff;
	v11 =	vmul.f32 $-5.000000000e+01, v51;
	v27 =	vmul.f32 $1.111111120e-01, v56  }
0x39d: {  	vm12 =	vlt.f32 v53, $0.0e+00;
	v57 =	vxor.u32 $0x80000000, v53;
	v26 =	vsub.f32 $1.500000000e+00, v26  }
0x39e: {  	v60 =	vld.idx.msk [tilespmem:v55+s2+$0x0], $0xffff;
	v4 =	vmul.f32 v30, v30;
	v59 =	vand.u32 $0x7FFFFFFF, v11;
	v27 =	vadd.f32 $1.428571490e-01, v27  }
0x39f: {  	s29 =	simm.s32 $0x8030;
	v10 =	vld.idx.msk [tilespmem:v10+s2+$0x0], $0xffff;
	v5 =	vmul.f32 v5, v5;
	v17 =	vmul.f32 v17, v17;
	v34 =	vsub.f32 $0.0e+00, v59  }
0x3a0: {  	v62 =	vld [tilespmem:s29+$0x0];
	v20 =	vadd.f32 v20, v20;
	v24 =	vmul.f32 v24, v24;
	v27 =	vmul.f32 v27, v56  }
0x3a1: {  	v6 =	vadd.f32 v4, v6;
	vm13 =	vlt.f32 v31, $0.0e+00;
	v34 =	vmul.f32 $1.442695020e+00, v34  }
0x3a2: {  	v30 =	vld.idx.msk [tilespmem:v52+s2+$0x0], $0xffff;
	v26 =	vmul.f32 v28, v26;
	vm0 =	vmand vm12, vm13;
	v27 =	vadd.f32 $2.000000030e-01, v27  }
0x3a3: {  	v31 =	vmax.f32 v57, $0.0e+00;
	v61 =	vsel vm0, $0x3F800000, v1;
	(erf) = vpow2.f32 v34  }
0x3a4: {  	v6 =	vadd.f32 v5, v6;
	v4 =	vadd.f32 v61, v19;
	v19 =	vmul.f32 v27, v56  }
0x3a5: {  	vm14 =	vge.f32 v62, $2.000000000e+00;
	v10 =	vsub.f32 v60, v10;
	v31 =	vmul.f32 v61, v31  }
0x3a6: {  	vm15 =	vge.f32 v62, $3.000000000e+00;
	v63 =	vmul.f32 v26, v7;
	v19 =	vadd.f32 $3.333333430e-01, v19  }
0x3a7: {  	v23 =	vld.idx.msk [tilespmem:v23+s2+$0x0], $0xffff;
	v16 =	vsub.f32 v16, v30;
	v5 =	vadd.f32 v31, v25;
	v25 =	vsel vm14, $0x40000000, v1  }
0x3a8: {  	v10 =	vand.u32 $0x7FFFFFFF, v10;
	v25 =	vsub.f32 v62, v25;
	v19 =	vmul.f32 v19, v56  }
0x3a9: {  	v30 =	vmul.f32 v14, v15;
	v39 =	vsub.f32 $1.000000000e+00, v61;
	v10 =	vadd.f32 v10, v18  }
0x3aa: {  	v16 =	vand.u32 $0x7FFFFFFF, v16;
	v18 =	vmul.f32 v8, v25;
	v19 =	vadd.f32 $1.000000000e+00, v19  }
0x3ab: {  	v10 =	vadd.f32 v16, v10;
	v16 =	vsel vm15, $0x3F800000, v1;
	v8 =	vmax.f32 v8, $0.0e+00  }
0x3ac: {  	v8 =	vsub.f32 v8, v18;
	v18 =	vmul.f32 v19, v20;
	v19 =	vmul.f32 v23, v23;
	v23 =	vpop (erf)  }
0x3ad: {  	s30 =	simm.s32 $0x50;
	v10 =	vmul.f32 v10, v16;
	v16 =	vsub.f32 $1.000000000e+00, v16;
	v20 =	vadd.f32 $2.000000000e+00, v23  }
0x3ae: {  	v25 =	vor.u32 s30, v0;
	v8 =	vadd.f32 v18, v8;
	v18 =	vmov s30  }
0x3af: {  	v13 =	vadd.f32 v10, v13;
	v10 =	vshll.u32 v18, $0x3;
	(erf) = vrcp.f32 v20  }
0x3b0: {  	v8 =	vmul.f32 v8, v16;
	v16 =	vand.u32 $0x7F, v25;
	v18 =	vand.u32 $0x3C00, v10  }
0x3b1: {  	v33 =	vmul.f32 v63, v26;
	v19 =	vadd.f32 v19, v17;
	v17 =	vor.u32 v16, v18  }
0x3b2: {  	v6 =	vmul.f32 v6, v39;
	v16 =	vor.u32 v16, v10;
	v27 =	vor.u32 $0x4080, v17  }
0x3b3: {  	v10 =	vadd.f32 v24, v19;
	v19 =	vor.u32 $0x380, v16;
	v16 =	vor.u32 $0x4100, v17  }
0x3b4: {  	v31 =	vmul.f32 v30, v14;
	v30 =	vor.u32 $0x100, v12;
	v6 =	vadd.f32 v6, v29  }
0x3b5: {  	v25 =	vmul.f32 v38, v38;
	v24 =	vmul.f32 v22, v9;
	v15 =	vmax.f32 v10, $1.000000000e-30  }
0x3b6: {  	v20 =	vld.idx.msk [tilespmem:v12+s2+$0x0], $0xffff;
	v8 =	vadd.f32 v8, v21;
	v22 =	vshra.s32 v15, $0x1;
	v9 =	vmul.f32 $5.000000000e-01, v15  }
0x3b7: {  	v21 =	vor.u32 $0x300, v17;
	v29 =	vor.u32 $0x4180, v17;
	v15 =	vsub.s32 $0x5F3759DF, v22;
	v28 =	vld.idx.msk [tilespmem:v27+s2+$0x0], $0xffff  }
0x3b8: {  	s31 =	sand.u32 $0x7F0, s30;
	s30 =	simm.s32 $0x60;
	v18 =	vor.u32 $0x4000, v17;
	v32 =	vmul.f32 v15, v9;
	v27 =	vld.idx.msk [tilespmem:v16+s2+$0x0], $0xffff;
	v16 =	vimm.f32 $0.0e+00;
	v34 =	vpop (erf)  }
.LBB2_2:
0x3b9: {  	p0 =	sne.s32 s30, $0x7F0;
	v22 =	vld [tilespmem:s31+$0x8800];
	v35 =	vor.u32 $0x280, v12;
	v23 =	vmul.f32 v34, v23;
	v31 =	vsub.f32 $1.500000000e+00, v31  }
0x3ba: {  	v36 =	vor.u32 $0x180, v12;
	v34 =	vld [tilespmem:s31+$0x9000];
	v32 =	vmul.f32 v15, v32;
	v33 =	vsub.f32 $1.500000000e+00, v33  }
0x3bb: {  	v38 =	vor.u32 $0x80, v12;
	v37 =	vld [tilespmem:s31+$0x9800];
	v39 =	vmul.f32 v23, v23;
	v31 =	vmul.f32 v31, v14  }
0x3bc: {  	v40 =	vor.u32 $0x200, v12;
	v12 =	vmovc v17;
	v29 =	vld.idx.msk [tilespmem:v29+s2+$0x0], $0xffff;
	v32 =	vsub.f32 $1.500000000e+00, v32;
	v14 =	vmul.f32 v33, v26  }
0x3bd: {  	v17 =	vmul.f32 v28, v28;
	v26 =	vld.idx.msk [tilespmem:v30+s2+$0x0], $0xffff;
	v28 =	vmul.f32 $1.111111120e-01, v39;
	v30 =	vadd.f32 $-1.000000000e+00, v24  }
0x3be: {  	v16 =	vadd.f32 v25, v16;
	v24 =	vmul.f32 v27, v27;
	v22 =	vmul.f32 $-5.000000000e+01, v22;
	v27 =	vld.idx.msk [tilespmem:v35+s2+$0x0], $0xffff  }
0x3bf: {  	vm0 =	vlt.f32 v34, $0.0e+00;
	v25 =	vxor.u32 $0x80000000, v34;
	v33 =	vld.idx.msk [tilespmem:v36+s2+$0x0], $0xffff;
	v28 =	vadd.f32 $1.428571490e-01, v28  }
0x3c0: {  	v34 =	vand.u32 $0x7FFFFFFF, v22;
	vm1 =	vlt.f32 v37, $0.0e+00;
	v25 =	vmax.f32 v25, $0.0e+00;
	v35 =	vld.idx.msk [tilespmem:v38+s2+$0x0], $0xffff  }
0x3c1: {  	s29 =	sadd.s32 $0x10, s29;
	v34 =	vsub.f32 $0.0e+00, v34;
	vm0 =	vmand vm0, vm1;
	v36 =	vld.idx.msk [tilespmem:v40+s2+$0x0], $0xffff;
	v28 =	vmul.f32 v28, v39  }
0x3c2: {  	v17 =	vadd.f32 v24, v17;
	v24 =	vmul.f32 v29, v29;
	v37 =	vsel vm0, $0x3F800000, v1;
	v29 =	vld [tilespmem:s29+$0x0]  }
0x3c3: {  	v34 =	vmul.f32 $1.442695020e+00, v34;
	v21 =	vld.idx.msk [tilespmem:v21+s2+$0x0], $0xffff;
	v38 =	vsub.f32 $1.000000000e+00, v37;
	v28 =	vadd.f32 $2.000000030e-01, v28  }
0x3c4: {  	v25 =	vmul.f32 v37, v25;
	v4 =	vadd.f32 v37, v4;
	v17 =	vadd.f32 v24, v17;
	v19 =	vld.idx.msk [tilespmem:v19+s2+$0x0], $0xffff  }
0x3c5: {  	v24 =	vsub.f32 v26, v27;
	v18 =	vld.idx.msk [tilespmem:v18+s2+$0x0], $0xffff;
	(erf) = vpow2.f32 v34;
	v26 =	vmul.f32 v28, v39  }
0x3c6: {  	v20 =	vsub.f32 v20, v33;
	v5 =	vadd.f32 v25, v5;
	v17 =	vmul.f32 v17, v38  }
0x3c7: {  	v25 =	vsub.f32 v35, v36;
	vm0 =	vge.f32 v29, $2.000000000e+00;
	v26 =	vadd.f32 $3.333333430e-01, v26  }
0x3c8: {  	v20 =	vand.u32 $0x7FFFFFFF, v20;
	v6 =	vadd.f32 v17, v6;
	v17 =	vsel vm0, $0x40000000, v1  }
0x3c9: {  	v25 =	vand.u32 $0x7FFFFFFF, v25;
	v17 =	vsub.f32 v29, v17;
	v26 =	vmul.f32 v26, v39  }
0x3ca: {  	v24 =	vand.u32 $0x7FFFFFFF, v24;
	v21 =	vmul.f32 v21, v21;
	v20 =	vadd.f32 v25, v20  }
0x3cb: {  	v27 =	vadd.f32 v23, v23;
	v17 =	vmul.f32 v11, v17;
	v25 =	vadd.f32 $1.000000000e+00, v26  }
0x3cc: {  	vm0 =	vge.f32 v29, $3.000000000e+00;
	v20 =	vadd.f32 v24, v20;
	v24 =	vmax.f32 v11, $0.0e+00;
	v11 =	vmovc v22  }
0x3cd: {  	v22 =	vsel vm0, $0x3F800000, v1;
	v17 =	vsub.f32 v24, v17;
	v24 =	vmul.f32 v25, v27  }
0x3ce: {  	v19 =	vmul.f32 v19, v19;
	v20 =	vmul.f32 v20, v22;
	v22 =	vsub.f32 $1.000000000e+00, v22;
	v23 =	vpop (erf)  }
0x3cf: {  	v26 =	vmul.f32 v18, v18;
	v25 =	vadd.f32 $2.000000000e+00, v23;
	v17 =	vadd.f32 v24, v17  }
0x3d0: {  	v18 =	vmov s30;
	v24 =	vor.u32 s30, v0;
	v13 =	vadd.f32 v20, v13  }
0x3d1: {  	v18 =	vshll.u32 v18, $0x3;
	(erf) = vrcp.f32 v25;
	v20 =	vmul.f32 v17, v22  }
0x3d2: {  	v22 =	vand.u32 $0x7F, v24;
	v17 =	vand.u32 $0x3C00, v18;
	v24 =	vadd.f32 v19, v21  }
0x3d3: {  	v17 =	vor.u32 v22, v17;
	v18 =	vor.u32 v22, v18;
	v8 =	vadd.f32 v20, v8  }
0x3d4: {  	v21 =	vor.u32 $0x300, v17;
	v19 =	vor.u32 $0x380, v18;
	v22 =	vor.u32 $0x4080, v17  }
0x3d5: {  	v18 =	vor.u32 $0x4000, v17;
	v27 =	vor.u32 $0x4100, v17;
	v28 =	vadd.f32 v26, v24  }
.Ltmp0:
0x3d6: {  	v26 =	vmul.f32 v15, v32;
	v32 =	vmul.f32 v14, v7;
	v7 =	vmov v9;
	(pc) =	sbr.rel @p0 .LBB2_2-.Ltmp0, $4  }
0x3d7: {  	v25 =	vmul.f32 v30, v30;
	v24 =	vmul.f32 v31, v2;
	v2 =	vmovc v3;
	v3 =	vmovc v10;
	v9 =	vmax.f32 v28, $1.000000000e-30  }
0x3d8: {  	v33 =	vmul.f32 v26, v7;
	v10 =	vmovc v28;
	v15 =	vshra.s32 v9, $0x1;
	v9 =	vmul.f32 $5.000000000e-01, v9;
	v20 =	vld.idx.msk [tilespmem:v12+s2+$0x0], $0xffff  }
0x3d9: {  	v29 =	vor.u32 $0x4180, v17;
	v31 =	vmul.f32 v32, v14;
	v15 =	vsub.s32 $0x5F3759DF, v15;
	v28 =	vld.idx.msk [tilespmem:v22+s2+$0x0], $0xffff  }
0x3da: {  	s31 =	sand.u32 $0x7F0, s30;
	s30 =	sadd.s32 $0x10, s30;
	v30 =	vor.u32 $0x100, v12;
	v33 =	vmul.f32 v33, v26;
	v32 =	vmul.f32 v15, v9;
	v27 =	vld.idx.msk [tilespmem:v27+s2+$0x0], $0xffff;
	v34 =	vpop (erf)  }
0x3db: {  	v22 =	vld [tilespmem:s31+$0x8800];
	_ =	sdelay $0x4  }
0x3dc: {  	v22 =	vmul.f32 $-5.000000000e+01, v22  }
0x3dd: {  	v36 =	vor.u32 $0x280, v12;
	v23 =	vmul.f32 v34, v23;
	v37 =	vor.u32 $0x180, v12  }
0x3de: {  	v39 =	vor.u32 $0x80, v12;
	v31 =	vsub.f32 $1.500000000e+00, v31;
	v35 =	vand.u32 $0x7FFFFFFF, v22  }
0x3df: {  	v59 =	vor.u32 $0x200, v12;
	v25 =	vadd.f32 v25, v16;
	v35 =	vsub.f32 $0.0e+00, v35  }
0x3e0: {  	v57 =	vld [tilespmem:s31+$0x9000];
	v24 =	vadd.f32 $-1.000000000e+00, v24;
	v46 =	vmax.f32 v11, $0.0e+00;
	v49 =	vor.u32 $0x100, v17  }
0x3e1: {  	v38 =	vld [tilespmem:s31+$0x9800];
	v51 =	vor.u32 $0x280, v17;
	v53 =	vor.u32 $0x180, v17;
	v35 =	vmul.f32 $1.442695020e+00, v35  }
0x3e2: {  	v21 =	vld.idx.msk [tilespmem:v21+s2+$0x0], $0xffff;
	v55 =	vor.u32 $0x80, v17;
	v32 =	vmul.f32 v15, v32;
	v58 =	vmul.f32 v23, v23  }
0x3e3: {  	v19 =	vld.idx.msk [tilespmem:v19+s2+$0x0], $0xffff;
	v33 =	vsub.f32 $1.500000000e+00, v33;
	v31 =	vmul.f32 v31, v14;
	(erf) = vpow2.f32 v35  }
0x3e4: {  	v18 =	vld.idx.msk [tilespmem:v18+s2+$0x0], $0xffff;
	v23 =	vadd.f32 v23, v23;
	v24 =	vmul.f32 v24, v24;
	v40 =	vmul.f32 $1.111111120e-01, v58  }
0x3e5: {  	v29 =	vld.idx.msk [tilespmem:v29+s2+$0x0], $0xffff;
	s29 =	sadd.s32 $0x10, s29;
	v26 =	vmul.f32 v33, v26;
	v32 =	vsub.f32 $1.500000000e+00, v32;
	v28 =	vmul.f32 v28, v28  }
0x3e6: {  	v62 =	vld [tilespmem:s29+$0x0];
	v27 =	vmul.f32 v27, v27;
	v2 =	vmul.f32 v31, v2;
	v40 =	vadd.f32 $1.428571490e-01, v40  }
0x3e7: {  	v30 =	vld.idx.msk [tilespmem:v30+s2+$0x0], $0xffff;
	v24 =	vadd.f32 v24, v25;
	vm0 =	vlt.f32 v57, $0.0e+00;
	v21 =	vmul.f32 v21, v21  }
0x3e8: {  	v36 =	vld.idx.msk [tilespmem:v36+s2+$0x0], $0xffff;
	vm1 =	vlt.f32 v38, $0.0e+00;
	v19 =	vmul.f32 v19, v19;
	v61 =	vmul.f32 v40, v58  }
0x3e9: {  	v16 =	vxor.u32 $0x80000000, v57;
	v18 =	vmul.f32 v18, v18;
	v7 =	vmul.f32 v26, v7  }
0x3ea: {  	vm0 =	vmand vm0, vm1;
	v19 =	vadd.f32 v19, v21;
	v63 =	vadd.f32 $2.000000030e-01, v61  }
0x3eb: {  	v14 =	vmax.f32 v16, $0.0e+00;
	v16 =	vmul.f32 v29, v29;
	vm12 =	vge.f32 v62, $2.000000000e+00  }
0x3ec: {  	v37 =	vld.idx.msk [tilespmem:v37+s2+$0x0], $0xffff;
	v27 =	vadd.f32 v27, v28;
	v18 =	vadd.f32 v18, v19;
	v38 =	vmul.f32 v63, v58;
	v41 =	vpop (erf)  }
0x3ed: {  	v39 =	vld.idx.msk [tilespmem:v39+s2+$0x0], $0xffff;
	vm13 =	vge.f32 v62, $3.000000000e+00;
	v30 =	vsub.f32 v30, v36;
	v36 =	vadd.f32 $2.000000000e+00, v41  }
0x3ee: {  	v60 =	vld.idx.msk [tilespmem:v59+s2+$0x0], $0xffff;
	v2 =	vadd.f32 $-1.000000000e+00, v2;
	v12 =	vsel vm0, $0x3F800000, v1;
	v29 =	vadd.f32 $3.333333430e-01, v38  }
0x3ef: {  	v54 =	vsel vm13, $0x3F800000, v1;
	v47 =	vmax.f32 v18, $1.000000000e-30;
	(erf) = vrcp.f32 v36  }
0x3f0: {  	v48 =	vshra.s32 v47, $0x1;
	v21 =	vmul.f32 $5.000000000e-01, v47;
	v42 =	vmul.f32 v29, v58  }
0x3f1: {  	v7 =	vmul.f32 v7, v26;
	v59 =	vsub.f32 $1.000000000e+00, v54;
	v29 =	vsub.s32 $0x5F3759DF, v48  }
0x3f2: {  	v4 =	vadd.f32 v12, v4;
	v52 =	vmul.f32 v29, v21;
	v45 =	vadd.f32 $1.000000000e+00, v42  }
0x3f3: {  	v2 =	vmul.f32 v2, v2;
	v20 =	vsub.f32 v20, v37;
	v33 =	vsub.f32 v39, v60  }
0x3f4: {  	v7 =	vsub.f32 $1.500000000e+00, v7;
	v19 =	vmul.f32 v45, v23;
	v23 =	vmul.f32 v29, v52  }
0x3f5: {  	v60 =	vmul.f32 v15, v32;
	v20 =	vand.u32 $0x7FFFFFFF, v20;
	v33 =	vand.u32 $0x7FFFFFFF, v33  }
0x3f6: {  	v39 =	vsel vm12, $0x40000000, v1;
	v20 =	vadd.f32 v33, v20;
	v23 =	vsub.f32 $1.500000000e+00, v23  }
0x3f7: {  	s29 =	sadd.s32 $0x10, s29;
	v34 =	vsub.f32 v62, v39;
	v43 =	vand.u32 $0x7FFFFFFF, v30;
	v62 =	vmul.f32 v60, v9  }
0x3f8: {  	v40 =	vld [tilespmem:s29+$0x0];
	v7 =	vmul.f32 v7, v26;
	v20 =	vadd.f32 v43, v20;
	v23 =	vmul.f32 v29, v23;
	v50 =	vpop (erf)  }
0x3f9: {  	v2 =	vadd.f32 v2, v24;
	v37 =	vmul.f32 v62, v60;
	v33 =	vmul.f32 v50, v41  }
0x3fa: {  	v35 =	vld.idx.msk [tilespmem:v53+s2+$0x0], $0xffff;
	v53 =	vmax.f32 v22, $0.0e+00;
	v20 =	vmul.f32 v20, v54;
	v41 =	vmul.f32 v23, v21  }
0x3fb: {  	v44 =	vmul.f32 v11, v34;
	v58 =	vor.u32 $0x200, v17;
	v56 =	vmul.f32 v33, v33  }
0x3fc: {  	v57 =	vld.idx.msk [tilespmem:v17+s2+$0x0], $0xffff;
	v13 =	vadd.f32 v20, v13;
	v20 =	vsub.f32 $1.500000000e+00, v37;
	v42 =	vmul.f32 v41, v23  }
0x3fd: {  	v30 =	vld.idx.msk [tilespmem:v49+s2+$0x0], $0xffff;
	vm14 =	vge.f32 v40, $2.000000000e+00;
	vm15 =	vge.f32 v40, $3.000000000e+00;
	v61 =	vmul.f32 $1.111111120e-01, v56  }
0x3fe: {  	v34 =	vld.idx.msk [tilespmem:v51+s2+$0x0], $0xffff;
	v11 =	vsub.f32 v46, v44;
	v15 =	vmul.f32 v20, v60;
	v44 =	vsub.f32 $1.500000000e+00, v42  }
0x3ff: {  	v63 =	vld.idx.msk [tilespmem:v55+s2+$0x0], $0xffff;
	v3 =	vmul.f32 v7, v3;
	v62 =	vadd.f32 v16, v27;
	v32 =	vadd.f32 $1.428571490e-01, v61  }
0x400: {  	v46 =	vsel vm14, $0x40000000, v1;
	v17 =	vld.idx.msk [tilespmem:v58+s2+$0x0], $0xffff;
	v47 =	vmul.f32 v15, v9;
	v20 =	vmul.f32 v44, v23  }
0x401: {  	v3 =	vadd.f32 $-1.000000000e+00, v3;
	v48 =	vsub.f32 v40, v46;
	v39 =	vmul.f32 v32, v56  }
0x402: {  	v54 =	vsel vm15, $0x3F800000, v1;
	v9 =	vmul.f32 v47, v15;
	v21 =	vmul.f32 v20, v21  }
0x403: {  	v3 =	vmul.f32 v3, v3;
	v43 =	vsub.f32 v30, v34;
	v29 =	vadd.f32 $2.000000030e-01, v39  }
0x404: {  	v11 =	vadd.f32 v19, v11;
	v9 =	vsub.f32 $1.500000000e+00, v9;
	v21 =	vmul.f32 v21, v20  }
0x405: {  	v19 =	vsub.f32 v57, v35;
	v17 =	vsub.f32 v63, v17;
	v29 =	vmul.f32 v29, v56  }
0x406: {  	v2 =	vadd.f32 v3, v2;
	v51 =	vmul.f32 v9, v15;
	v52 =	vsub.f32 $1.500000000e+00, v21  }
0x407: {  	v19 =	vand.u32 $0x7FFFFFFF, v19;
	v17 =	vand.u32 $0x7FFFFFFF, v17;
	v45 =	vadd.f32 $3.333333430e-01, v29  }
0x408: {  	v17 =	vadd.f32 v17, v19;
	v7 =	vmul.f32 v51, v10;
	v9 =	vmul.f32 v52, v20  }
0x409: {  	v49 =	vand.u32 $0x7FFFFFFF, v43;
	v57 =	vsub.f32 $1.000000000e+00, v54;
	v26 =	vmul.f32 v45, v56  }
0x40a: {  	v17 =	vadd.f32 v49, v17;
	v7 =	vadd.f32 $-1.000000000e+00, v7;
	v9 =	vmul.f32 v9, v18  }
0x40b: {  	v50 =	vadd.f32 v33, v33;
	v23 =	vmul.f32 v22, v48;
	v26 =	vadd.f32 $1.000000000e+00, v26  }
0x40c: {  	v11 =	vmul.f32 v11, v59;
	v3 =	vmul.f32 v7, v7;
	v58 =	vadd.f32 $-1.000000000e+00, v9  }
0x40d: {  	v17 =	vmul.f32 v17, v54;
	v55 =	vsub.f32 v53, v23;
	v56 =	vmul.f32 v26, v50  }
0x40e: {  	v59 =	vsub.f32 $1.000000000e+00, v12;
	v2 =	vadd.f32 v3, v2;
	v3 =	vmul.f32 v58, v58  }
0x40f: {  	v60 =	vadd.f32 v17, v13;
	v61 =	vmul.f32 v12, v14;
	v10 =	vadd.f32 v56, v55  }
0x410: {  	[tilespmem:$0xA040] =	vst v4;
	v63 =	vmul.f32 v62, v59;
	v2 =	vadd.f32 v3, v2  }
0x411: {  	v8 =	vadd.f32 v11, v8;
	[tilespmem:$0xA000] =	vst v60;
	v3 =	vadd.f32 v61, v5;
	v10 =	vmul.f32 v10, v57  }
0x412: {  	[tilespmem:$0xA020] =	vst v2;
	v2 =	vadd.f32 v63, v6  }
0x413: {  	[tilespmem:$0xA030] =	vst v3;
	v8 =	vadd.f32 v10, v8  }
0x414: {  	[tilespmem:$0xA050] =	vst v2  }
0x415: {  	s31 =	rddreg [dreg:$0xd];
	s30 =	simm.s32 $0xA000;
	[tilespmem:$0xA010] =	vst v8  }
0x416: {  	[hbm4b:s31+s2] =	stream.linear.scatter [tilespmem:s30], [sflag:$0x1], $0x10, $0x38;
	[tilespmem:$0xA080] =	vst v63  }
0x417: {  	s29 =	rddreg [dreg:$0xe];
	s31 =	simm.s32 $0xA010  }
0x418: {  	[hbm4b:s29+s2] =	stream.linear.scatter [tilespmem:s31], [sflag:$0x1], $0x10, $0x38;
	[tilespmem:$0xA080] =	vst v63  }
0x419: {  	s29 =	rddreg [dreg:$0xf];
	s31 =	simm.s32 $0xA020  }
0x41a: {  	[hbm4b:s29+s2] =	stream.linear.scatter [tilespmem:s31], [sflag:$0x1], $0x10, $0x38;
	[tilespmem:$0xA080] =	vst v63  }
0x41b: {  	s29 =	rddreg [dreg:$0x10];
	s31 =	simm.s32 $0xA030  }
0x41c: {  	[hbm4b:s29+s2] =	stream.linear.scatter [tilespmem:s31], [sflag:$0x1], $0x10, $0x38;
	[tilespmem:$0xA080] =	vst v63  }
0x41d: {  	s29 =	rddreg [dreg:$0x11];
	s31 =	simm.s32 $0xA040  }
0x41e: {  	[hbm4b:s29+s2] =	stream.linear.scatter [tilespmem:s31], [sflag:$0x1], $0x10, $0x38;
	[tilespmem:$0xA080] =	vst v63  }
0x41f: {  	s29 =	rddreg [dreg:$0x12];
	s31 =	simm.s32 $0xA050  }
0x420: {  	[hbm4b:s29+s2] =	stream.linear.scatter [tilespmem:s31], [sflag:$0x1], $0x10, $0x38;
	[tilespmem:$0xA080] =	vst v63  }
0x421: {  	_ =	swait.ge [sflag:s26], $0x10  }
0x422: {  	[sflag:s26] =	ssyncset.done $0x0  }
0x423: {  	[sflag:s26] =	ssyncadd.s32 $0xFFFFFFF0  }
0x424: {  	_ =	swait.ge [sflag:s26], $0x10  }
0x425: {  	[sflag:s26] =	ssyncset.done $0x0  }
0x426: {  	[sflag:s26] =	ssyncadd.s32 $0xFFFFFFF0  }
0x427: {  	_ =	swait.ge [sflag:s26], $0x10  }
0x428: {  	[sflag:s26] =	ssyncset.done $0x0  }
0x429: {  	[sflag:s26] =	ssyncadd.s32 $0xFFFFFFF0  }
0x42a: {  	_ =	swait.ge [sflag:s26], $0x10  }
0x42b: {  	[sflag:s26] =	ssyncset.done $0x0  }
0x42c: {  	[sflag:s26] =	ssyncadd.s32 $0xFFFFFFF0  }
0x42d: {  	_ =	swait.ge [sflag:s26], $0x10  }
0x42e: {  	[sflag:s26] =	ssyncset.done $0x0  }
0x42f: {  	[sflag:s26] =	ssyncadd.s32 $0xFFFFFFF0  }
0x430: {  	_ =	swait.ge [sflag:s26], $0x10  }
0x431: {  	s28 =	sadd.s32 $0x1, s28;
	s31 =	rddreg [dreg:$0x13]  }
0x432: {  	p0 =	sne.s32 s28, s31  }
.Ltmp1:
0x433: {  	_ = 	snop;
	(pc) =	sbr.rel @p0 .LBB2_1-.Ltmp1, $3  }
0x434: {  	_ =	sdelay $0x1  }
0x435: {  	[sflag:s26] =	ssyncset.done $0x0  }
0x436: {  	[sflag:s26] =	ssyncadd.s32 $0xFFFFFFF0  }
0x437: {  	_ =	sfence.sel $0x180000  }
0x438: {  	[bflag:$0x0] =	sbarrier.arrive $0xFFFF  }
0x439: {  	_ =	strace $0x90000047  }
0x43a: {  	s0 =	stileid.u32;
	[bflag:$0x2] =	sbarrier.arrive $0xFFFF  }
0x43b: {  	p0 =	sne.s32 s0, $0x0;
	s0 =	rddreg [dreg:$0x8]  }
0x43c: {  	s0 =	sadd.s32 @!p0 $0x100000, s0  }
0x43d: {  	[sflag:s0] =	ssyncadd.tile.s32 @!p0 $0x1;
	_ =	shalt  }
.Lfunc_end2:
_tile_overlayer_lowered:
.L_overlay_start_2:
0x43e: {  	(tag) =	ssettag $0x2  }
0x43f: {  	s0 =	rddreg [dreg:$0x0];
	s2 =	stileid.u32  }
0x440: {  	s1 =	rddreg [dreg:$0x1];
	p0 =	sne.s32 s2, $0x0  }
0x441: {  	s3 =	rddreg [dreg:$0x2];
	[bflag:$0x3] =	sbarrier.arrive $0xFFFF;
	s2 =	simm.s32 @!p0 $0x1C02  }
0x442: {  	[timem:s3], [sflag:s2] =	dma.local @!p0 [hbm:s0], s1  }
0x443: {  	s0 =	simm.s32 @!p0 $0x2  }
0x444: {  	_ =	swait.ge @!p0 [sflag:s0], s1  }
0x445: {  	s1 =	ssub.s32 @!p0 $0x0, s1;
	[sflag:s0] =	ssyncset.done @!p0 $0x0  }
0x446: {  	[sflag:s0] =	ssyncadd.s32 @!p0 s1  }
0x447: {  	[bflag:$0x3] =	sbarrier.arrive $0xFFFF  }
0x448: {  	_ =	shalt  }

</sc_bundles>
